<compile_context>
chip_gen: v7x
topology: tpu7x:2x2x1
jax: 0.10.2.dev20260603
libtpu: 0.0.44.dev20260713+nightly
codegen_flags: <defaults>
</compile_context>

<pallas_src>
import functools

import jax
import jax.numpy as jnp
from jax import lax
from jax.experimental import pallas as pl
from jax.experimental.pallas import tpu as pltpu
from jax.experimental.pallas import tpu_sc as plsc

EMBED_DIM = 64
VOCAB_ROWS = 300
NUM_WORKERS = 32
CHUNK = 128
LANES = 16
SKEW = EMBED_DIM + 1


def _embed_kernel_body(n_chunks, idx_hbm, emb_hbm, out5_hbm,
                       idx_v, tab_raw, tab_sk, tbuf, wsem, isem):
    wid = lax.axis_index("s") * 2 + lax.axis_index("c")
    per_w = n_chunks * CHUNK
    k0 = wid * n_chunks
    idx_copy = pltpu.make_async_copy(
        idx_hbm.at[pl.ds(k0 * CHUNK, per_w)], idx_v, isem
    )
    idx_copy.start()
    pltpu.sync_copy(emb_hbm, tab_raw)

    iota = lax.iota(jnp.int32, LANES)

    @plsc.parallel_loop(0, VOCAB_ROWS, step=1, unroll=4)
    def _skew(r):
        base = r * SKEW + iota
        for q in range(EMBED_DIM // LANES):
            plsc.store_scatter(
                tab_sk, [base + q * LANES], tab_raw[r, pl.ds(q * LANES, LANES)]
            )

    idx_copy.wait()

    def write_descs(j, p):
        k = k0 + j
        t = k // 128
        b_hi = k % 128
        return [
            pltpu.make_async_copy(
                tbuf.at[p, pl.ds(c_hi * 8, 8)],
                out5_hbm.at[t, c_hi, b_hi],
                wsem.at[p],
            )
            for c_hi in range(8)
        ]

    def do_chunk(j):
        p = lax.rem(j, 2)
        bases = [
            idx_v[pl.ds(j * CHUNK + g * LANES, LANES)] * SKEW for g in range(8)
        ]

        @pl.when(j >= 2)
        def _():
            for d in write_descs(j - 2, p):
                d.wait()

        @plsc.parallel_loop(0, EMBED_DIM, step=1, unroll=8)
        def _col(c):
            for g in range(8):
                tbuf[p, c, pl.ds(g * LANES, LANES)] = plsc.load_gather(
                    tab_sk, [bases[g] + c]
                )

        for d in write_descs(j, p):
            d.start()

    def loop_body(j, carry):
        do_chunk(j)
        return carry

    lax.fori_loop(0, n_chunks, loop_body, 0)

    for j in (n_chunks - 2, n_chunks - 1):
        for d in write_descs(j, lax.rem(j, 2)):
            d.wait()


@functools.partial(jax.jit, static_argnames=("b", "t"))
def _embed(idx_tmajor, emb, b, t):
    n_chunks_total = (b // CHUNK) * t
    n_chunks = n_chunks_total // NUM_WORKERS
    per_w = n_chunks * CHUNK
    mesh = plsc.VectorSubcoreMesh(
        core_axis_name="c", subcore_axis_name="s", num_cores=2, num_subcores=16
    )
    run = pl.kernel(
        functools.partial(_embed_kernel_body, n_chunks),
        out_type=jax.ShapeDtypeStruct(
            (t, EMBED_DIM // 8, b // CHUNK, 8, CHUNK), jnp.float32
        ),
        mesh=mesh,
        scratch_types=[
            pltpu.VMEM((per_w,), jnp.int32),
            pltpu.VMEM((VOCAB_ROWS, EMBED_DIM), jnp.float32),
            pltpu.VMEM((VOCAB_ROWS * SKEW,), jnp.float32),
            pltpu.VMEM((2, EMBED_DIM, CHUNK), jnp.float32),
            pltpu.SemaphoreType.DMA((2,)),
            pltpu.SemaphoreType.DMA,
        ],
        compiler_params=pltpu.CompilerParams(
            use_tc_tiling_on_sc=False, needs_layout_passes=False
        ),
    )
    return run(idx_tmajor, emb)


def kernel(x, emb):
    b, t = x.shape
    assert emb.shape == (VOCAB_ROWS, EMBED_DIM)
    idx_tmajor = x.T.reshape(-1).astype(jnp.int32)
    y5 = _embed(idx_tmajor, emb, b, t)
    return y5.transpose(2, 4, 0, 1, 3).reshape(b, t, EMBED_DIM)

# --- scband reference (transcript-rebuilt; emitter-appended) ---
"""Pipeline reference for scband-ability-embedding-80393197846803 (READ-ONLY COPY).

The authoritative reference and input builder live on the scoring server;
editing this copy changes nothing except your own understanding.
"""

import jax, jax.numpy as jnp
import numpy as np

VOCAB = 300
EMBED_DIM = 64

def setup_inputs(seed: int = 0) -> dict:
    key = jax.random.key(seed)
    k1, k2 = jax.random.split(key)
    x = jax.random.randint(k1, (16384, 6), 0, VOCAB, dtype=jnp.int64)
    # Pretrained (frozen) ability embedding table, materialized randomly here.
    emb = jax.random.normal(k2, (VOCAB, EMBED_DIM), dtype=jnp.float32)
    return {"x": x, "emb": emb}

def reference(x, emb):
    # nn.Embedding lookup: out[b, t] = emb[x[b, t]]
    return jnp.take(emb, x, axis=0)

if __name__ == "__main__":
    import jax
    _d = setup_inputs()
    print(jax.jit(kernel)(*tuple(_d.values())))

</pallas_src>

<mosaic_0001>
#map = affine_map<(d0, d1) -> (0)>
#map1 = affine_map<(d0, d1) -> (0, 0)>
#map2 = affine_map<(d0, d1) -> (0, 0, 0, 0, 0)>
module attributes {stable_mosaic.version = 14 : i64} {
  func.func @_embed_kernel_body(%arg0: i32, %arg1: i32, %arg2: memref<98304xi32, #tpu.memory_space<hbm>>, %arg3: memref<300x64xf32, #tpu.memory_space<hbm>>, %arg4: memref<6x8x128x8x128xf32, #tpu.memory_space<hbm>>, %arg5: memref<3072xi32, #tpu.memory_space<vmem>>, %arg6: memref<300x64xf32, #tpu.memory_space<vmem>>, %arg7: memref<19500xf32, #tpu.memory_space<vmem>>, %arg8: memref<2x64x128xf32, #tpu.memory_space<vmem>>, %arg9: memref<2x!tpu.dma_semaphore, #tpu.memory_space<semaphore_mem>>, %arg10: memref<!tpu.dma_semaphore, #tpu.memory_space<semaphore_mem>>) attributes {dimension_semantics = [#tpu.dimension_semantics<core_parallel>, #tpu.dimension_semantics<subcore_parallel>], iteration_bounds = array<i64: 2, 16>, scalar_prefetch = 0 : i64, scratch_operands = 6 : i64, tpu.core_type = #tpu.core_type<sc_vector_subcore>, window_params = [{transform_indices = #map}, {transform_indices = #map1}, {transform_indices = #map2}]} {
    %mul3A = arith.constant 2 : i32
    %mul3A_0 = arith.muli %arg1, %mul3A : i32
    %add3A = arith.addi %mul3A_0, %arg0 : i32
    %mul3A_1 = arith.constant 24 : i32
    %mul3A_2 = arith.muli %add3A, %mul3A_1 : i32
    %mul3A_3 = arith.constant 128 : i32
    %mul3A_4 = arith.muli %mul3A_2, %mul3A_3 : i32
    %dma_start3A = tpu.memref_slice %arg2[%mul3A_4] : memref<98304xi32, #tpu.memory_space<hbm>> -> memref<3072xi32, #tpu.memory_space<hbm>>
    %dma_start3A_5 = tpu.memref_slice %arg2[%mul3A_4] : memref<98304xi32, #tpu.memory_space<hbm>> -> memref<3072xi32, #tpu.memory_space<hbm>>
    tpu.enqueue_dma source(%dma_start3A_5 : memref<3072xi32, #tpu.memory_space<hbm>>) target(%arg5 : memref<3072xi32, #tpu.memory_space<vmem>>) target_semaphore(%arg10 : memref<!tpu.dma_semaphore, #tpu.memory_space<semaphore_mem>>)
    "tpu.region"() ({
      %run_scoped3A = tpu.sem_alloc : memref<!tpu.dma_semaphore, #tpu.memory_space<semaphore_mem>>
      tpu.enqueue_dma source(%arg3 : memref<300x64xf32, #tpu.memory_space<hbm>>) target(%arg6 : memref<300x64xf32, #tpu.memory_space<vmem>>) target_semaphore(%run_scoped3A : memref<!tpu.dma_semaphore, #tpu.memory_space<semaphore_mem>>)
      tpu.wait_dma2 semaphore(%run_scoped3A : memref<!tpu.dma_semaphore, #tpu.memory_space<semaphore_mem>>) src(%arg3 : memref<300x64xf32, #tpu.memory_space<hbm>>) dst(%arg6 : memref<300x64xf32, #tpu.memory_space<vmem>>)
      tpu.yield
    }) : () -> ()
    %iota3A = tpu.iota {dimensions = array<i32: 0>} : vector<16xi32>
    %parallel_loop3A = arith.constant 0 : i32
    %parallel_loop3A_6 = arith.constant 300 : i32
    %parallel_loop3A_7 = arith.constant 1 : i32
    scf.for %parallel_loop3A_398 = %parallel_loop3A to %parallel_loop3A_6 step %parallel_loop3A_7  : i32 {
      %parallel_loop3A_399 = arith.constant 65 : i32
      %parallel_loop3A_400 = arith.muli %parallel_loop3A_398, %parallel_loop3A_399 : i32
      %parallel_loop3A_401 = vector.broadcast %parallel_loop3A_400 : i32 to vector<16xi32>
      %parallel_loop3A_402 = arith.addi %parallel_loop3A_401, %iota3A : vector<16xi32>
      %parallel_loop3A_403 = arith.constant 0 : i32
      %parallel_loop3A_404 = vector.broadcast %parallel_loop3A_403 : i32 to vector<16xi32>
      %parallel_loop3A_405 = arith.addi %parallel_loop3A_402, %parallel_loop3A_404 : vector<16xi32>
      %parallel_loop3A_406 = arith.index_cast %parallel_loop3A_398 : i32 to index
      %parallel_loop3A_407 = arith.constant 0 : index
      %parallel_loop3A_408 = tpu.vector_load %arg6[%parallel_loop3A_406, %parallel_loop3A_407] {strides = array<i32>} : memref<300x64xf32, #tpu.memory_space<vmem>>, vector<16xf32>,
      tpu.vector_store_idx %arg7[%parallel_loop3A_405], %parallel_loop3A_408 : memref<19500xf32, #tpu.memory_space<vmem>>[vector<16xi32>], vector<16xf32>,
      %parallel_loop3A_409 = arith.constant 16 : i32
      %parallel_loop3A_410 = vector.broadcast %parallel_loop3A_409 : i32 to vector<16xi32>
      %parallel_loop3A_411 = arith.addi %parallel_loop3A_402, %parallel_loop3A_410 : vector<16xi32>
      %parallel_loop3A_412 = arith.index_cast %parallel_loop3A_398 : i32 to index
      %parallel_loop3A_413 = arith.constant 16 : index
      %parallel_loop3A_414 = tpu.vector_load %arg6[%parallel_loop3A_412, %parallel_loop3A_413] {strides = array<i32>} : memref<300x64xf32, #tpu.memory_space<vmem>>, vector<16xf32>,
      tpu.vector_store_idx %arg7[%parallel_loop3A_411], %parallel_loop3A_414 : memref<19500xf32, #tpu.memory_space<vmem>>[vector<16xi32>], vector<16xf32>,
      %parallel_loop3A_415 = arith.constant 32 : i32
      %parallel_loop3A_416 = vector.broadcast %parallel_loop3A_415 : i32 to vector<16xi32>
      %parallel_loop3A_417 = arith.addi %parallel_loop3A_402, %parallel_loop3A_416 : vector<16xi32>
      %parallel_loop3A_418 = arith.index_cast %parallel_loop3A_398 : i32 to index
      %parallel_loop3A_419 = arith.constant 32 : index
      %parallel_loop3A_420 = tpu.vector_load %arg6[%parallel_loop3A_418, %parallel_loop3A_419] {strides = array<i32>} : memref<300x64xf32, #tpu.memory_space<vmem>>, vector<16xf32>,
      tpu.vector_store_idx %arg7[%parallel_loop3A_417], %parallel_loop3A_420 : memref<19500xf32, #tpu.memory_space<vmem>>[vector<16xi32>], vector<16xf32>,
      %parallel_loop3A_421 = arith.constant 48 : i32
      %parallel_loop3A_422 = vector.broadcast %parallel_loop3A_421 : i32 to vector<16xi32>
      %parallel_loop3A_423 = arith.addi %parallel_loop3A_402, %parallel_loop3A_422 : vector<16xi32>
      %parallel_loop3A_424 = arith.index_cast %parallel_loop3A_398 : i32 to index
      %parallel_loop3A_425 = arith.constant 48 : index
      %parallel_loop3A_426 = tpu.vector_load %arg6[%parallel_loop3A_424, %parallel_loop3A_425] {strides = array<i32>} : memref<300x64xf32, #tpu.memory_space<vmem>>, vector<16xf32>,
      tpu.vector_store_idx %arg7[%parallel_loop3A_423], %parallel_loop3A_426 : memref<19500xf32, #tpu.memory_space<vmem>>[vector<16xi32>], vector<16xf32>,
    } {sc.loop_unroll_factor = 4 : i64, sc.parallel_access}
    %dma_wait3A = tpu.memref_slice %arg2[%mul3A_4] : memref<98304xi32, #tpu.memory_space<hbm>> -> memref<3072xi32, #tpu.memory_space<hbm>>
    %dma_wait3A_8 = tpu.memref_slice %arg2[%mul3A_4] : memref<98304xi32, #tpu.memory_space<hbm>> -> memref<3072xi32, #tpu.memory_space<hbm>>
    tpu.wait_dma2 semaphore(%arg10 : memref<!tpu.dma_semaphore, #tpu.memory_space<semaphore_mem>>) src(%dma_wait3A_8 : memref<3072xi32, #tpu.memory_space<hbm>>) dst(%arg5 : memref<3072xi32, #tpu.memory_space<vmem>>)
    %scan3A = arith.constant 0 : i32
    %scan3A_9 = arith.constant 0 : i32
    %scan3A_10 = arith.constant 24 : i32
    %scan3A_11 = arith.addi %scan3A_9, %scan3A_10 : i32
    %scan3A_12 = arith.constant 1 : i32
    scf.for %scan3A_398 = %scan3A_9 to %scan3A_11 step %scan3A_12  : i32 {
      %rem3A_399 = arith.constant 2 : i32
      %rem3A_400 = arith.remsi %scan3A_398, %rem3A_399 : i32
      %mul3A_401 = arith.constant 128 : i32
      %mul3A_402 = arith.muli %scan3A_398, %mul3A_401 : i32
      %add3A_403 = arith.constant 0 : i32
      %add3A_404 = arith.addi %mul3A_402, %add3A_403 : i32
      %get3A = arith.index_cast %add3A_404 : i32 to index
      %get3A_405 = tpu.vector_load %arg5[%get3A] {strides = array<i32>} : memref<3072xi32, #tpu.memory_space<vmem>>, vector<16xi32>,
      %mul3A_406 = arith.constant 65 : i32
      %mul3A_407 = vector.broadcast %mul3A_406 : i32 to vector<16xi32>
      %mul3A_408 = arith.muli %get3A_405, %mul3A_407 : vector<16xi32>
      %mul3A_409 = arith.constant 128 : i32
      %mul3A_410 = arith.muli %scan3A_398, %mul3A_409 : i32
      %add3A_411 = arith.constant 16 : i32
      %add3A_412 = arith.addi %mul3A_410, %add3A_411 : i32
      %get3A_413 = arith.index_cast %add3A_412 : i32 to index
      %get3A_414 = tpu.vector_load %arg5[%get3A_413] {strides = array<i32>} : memref<3072xi32, #tpu.memory_space<vmem>>, vector<16xi32>,
      %mul3A_415 = arith.constant 65 : i32
      %mul3A_416 = vector.broadcast %mul3A_415 : i32 to vector<16xi32>
      %mul3A_417 = arith.muli %get3A_414, %mul3A_416 : vector<16xi32>
      %mul3A_418 = arith.constant 128 : i32
      %mul3A_419 = arith.muli %scan3A_398, %mul3A_418 : i32
      %add3A_420 = arith.constant 32 : i32
      %add3A_421 = arith.addi %mul3A_419, %add3A_420 : i32
      %get3A_422 = arith.index_cast %add3A_421 : i32 to index
      %get3A_423 = tpu.vector_load %arg5[%get3A_422] {strides = array<i32>} : memref<3072xi32, #tpu.memory_space<vmem>>, vector<16xi32>,
      %mul3A_424 = arith.constant 65 : i32
      %mul3A_425 = vector.broadcast %mul3A_424 : i32 to vector<16xi32>
      %mul3A_426 = arith.muli %get3A_423, %mul3A_425 : vector<16xi32>
      %mul3A_427 = arith.constant 128 : i32
      %mul3A_428 = arith.muli %scan3A_398, %mul3A_427 : i32
      %add3A_429 = arith.constant 48 : i32
      %add3A_430 = arith.addi %mul3A_428, %add3A_429 : i32
      %get3A_431 = arith.index_cast %add3A_430 : i32 to index
      %get3A_432 = tpu.vector_load %arg5[%get3A_431] {strides = array<i32>} : memref<3072xi32, #tpu.memory_space<vmem>>, vector<16xi32>,
      %mul3A_433 = arith.constant 65 : i32
      %mul3A_434 = vector.broadcast %mul3A_433 : i32 to vector<16xi32>
      %mul3A_435 = arith.muli %get3A_432, %mul3A_434 : vector<16xi32>
      %mul3A_436 = arith.constant 128 : i32
      %mul3A_437 = arith.muli %scan3A_398, %mul3A_436 : i32
      %add3A_438 = arith.constant 64 : i32
      %add3A_439 = arith.addi %mul3A_437, %add3A_438 : i32
      %get3A_440 = arith.index_cast %add3A_439 : i32 to index
      %get3A_441 = tpu.vector_load %arg5[%get3A_440] {strides = array<i32>} : memref<3072xi32, #tpu.memory_space<vmem>>, vector<16xi32>,
      %mul3A_442 = arith.constant 65 : i32
      %mul3A_443 = vector.broadcast %mul3A_442 : i32 to vector<16xi32>
      %mul3A_444 = arith.muli %get3A_441, %mul3A_443 : vector<16xi32>
      %mul3A_445 = arith.constant 128 : i32
      %mul3A_446 = arith.muli %scan3A_398, %mul3A_445 : i32
      %add3A_447 = arith.constant 80 : i32
      %add3A_448 = arith.addi %mul3A_446, %add3A_447 : i32
      %get3A_449 = arith.index_cast %add3A_448 : i32 to index
      %get3A_450 = tpu.vector_load %arg5[%get3A_449] {strides = array<i32>} : memref<3072xi32, #tpu.memory_space<vmem>>, vector<16xi32>,
      %mul3A_451 = arith.constant 65 : i32
      %mul3A_452 = vector.broadcast %mul3A_451 : i32 to vector<16xi32>
      %mul3A_453 = arith.muli %get3A_450, %mul3A_452 : vector<16xi32>
      %mul3A_454 = arith.constant 128 : i32
      %mul3A_455 = arith.muli %scan3A_398, %mul3A_454 : i32
      %add3A_456 = arith.constant 96 : i32
      %add3A_457 = arith.addi %mul3A_455, %add3A_456 : i32
      %get3A_458 = arith.index_cast %add3A_457 : i32 to index
      %get3A_459 = tpu.vector_load %arg5[%get3A_458] {strides = array<i32>} : memref<3072xi32, #tpu.memory_space<vmem>>, vector<16xi32>,
      %mul3A_460 = arith.constant 65 : i32
      %mul3A_461 = vector.broadcast %mul3A_460 : i32 to vector<16xi32>
      %mul3A_462 = arith.muli %get3A_459, %mul3A_461 : vector<16xi32>
      %mul3A_463 = arith.constant 128 : i32
      %mul3A_464 = arith.muli %scan3A_398, %mul3A_463 : i32
      %add3A_465 = arith.constant 112 : i32
      %add3A_466 = arith.addi %mul3A_464, %add3A_465 : i32
      %get3A_467 = arith.index_cast %add3A_466 : i32 to index
      %get3A_468 = tpu.vector_load %arg5[%get3A_467] {strides = array<i32>} : memref<3072xi32, #tpu.memory_space<vmem>>, vector<16xi32>,
      %mul3A_469 = arith.constant 65 : i32
      %mul3A_470 = vector.broadcast %mul3A_469 : i32 to vector<16xi32>
      %mul3A_471 = arith.muli %get3A_468, %mul3A_470 : vector<16xi32>
      %ge3A = arith.constant 2 : i32
      %ge3A_472 = arith.cmpi sge, %scan3A_398, %ge3A : i32
      %convert_element_type3A = arith.extui %ge3A_472 : i1 to i32
      %cond3A = arith.constant 0 : i32
      %cond3A_473 = arith.cmpi ne, %convert_element_type3A, %cond3A : i32
      scf.if %cond3A_473 {
        %sub3A_670 = arith.constant 2 : i32
        %sub3A_671 = arith.subi %scan3A_398, %sub3A_670 : i32
        %add3A_672 = arith.addi %mul3A_2, %sub3A_671 : i32
        %jit3A_673 = arith.constant 128 : i32
        %div3A_674 = arith.divsi %add3A_672, %jit3A_673 : i32
        %sign3A_675 = arith.constant 0 : i32
        %sign3A_676 = arith.cmpi sgt, %add3A_672, %sign3A_675 : i32
        %sign3A_677 = arith.extui %sign3A_676 : i1 to i32
        %sign3A_678 = arith.constant 0 : i32
        %sign3A_679 = arith.cmpi slt, %add3A_672, %sign3A_678 : i32
        %sign3A_680 = arith.extui %sign3A_679 : i1 to i32
        %sign3A_681 = arith.subi %sign3A_677, %sign3A_680 : i32
        %sign3A_682 = arith.constant 0 : i32
        %sign3A_683 = arith.cmpi sgt, %jit3A_673, %sign3A_682 : i32
        %sign3A_684 = arith.extui %sign3A_683 : i1 to i32
        %sign3A_685 = arith.constant 0 : i32
        %sign3A_686 = arith.cmpi slt, %jit3A_673, %sign3A_685 : i32
        %sign3A_687 = arith.extui %sign3A_686 : i1 to i32
        %sign3A_688 = arith.subi %sign3A_684, %sign3A_687 : i32
        %ne3A_689 = arith.cmpi ne, %sign3A_681, %sign3A_688 : i32
        %rem3A_690 = arith.remsi %add3A_672, %jit3A_673 : i32
        %ne3A_691 = arith.constant 0 : i32
        %ne3A_692 = arith.cmpi ne, %rem3A_690, %ne3A_691 : i32
        %and3A_693 = arith.andi %ne3A_689, %ne3A_692 : i1
        %sub3A_694 = arith.constant 1 : i32
        %sub3A_695 = arith.subi %div3A_674, %sub3A_694 : i32
        %select_n3A_696 = arith.select %and3A_693, %sub3A_695, %div3A_674 : i32
        %jit3A_697 = arith.constant 128 : i32
        %eq3A_698 = arith.constant 0 : i32
        %eq3A_699 = arith.cmpi eq, %jit3A_697, %eq3A_698 : i32
        %jit3A_700 = arith.constant 1 : i32
        %select_n3A_701 = arith.select %eq3A_699, %jit3A_700, %jit3A_697 : i32
        %rem3A_702 = arith.remsi %add3A_672, %select_n3A_701 : i32
        %ne3A_703 = arith.constant 0 : i32
        %ne3A_704 = arith.cmpi ne, %rem3A_702, %ne3A_703 : i32
        %lt3A_705 = arith.constant 0 : i32
        %lt3A_706 = arith.cmpi slt, %rem3A_702, %lt3A_705 : i32
        %lt3A_707 = arith.constant 0 : i32
        %lt3A_708 = arith.cmpi slt, %select_n3A_701, %lt3A_707 : i32
        %ne3A_709 = arith.xori %lt3A_706, %lt3A_708 : i1
        %and3A_710 = arith.andi %ne3A_709, %ne3A_704 : i1
        %add3A_711 = arith.addi %rem3A_702, %select_n3A_701 : i32
        %select_n3A_712 = arith.select %and3A_710, %add3A_711, %rem3A_702 : i32
        %dma_wait3A_713 = arith.constant 0 : i32
        %dma_wait3A_714 = arith.constant 0 : i32
        %dma_wait3A_715 = arith.constant 0 : i32
        %dma_wait3A_716 = tpu.memref_slice %arg8[%rem3A_400, %dma_wait3A_714, %dma_wait3A_715] : memref<2x64x128xf32, #tpu.memory_space<vmem>> -> memref<1x8x128xf32, #tpu.memory_space<vmem>>
        %dma_wait3A_717 = tpu.memref_squeeze %dma_wait3A_716 : memref<1x8x128xf32, #tpu.memory_space<vmem>> -> memref<8x128xf32, #tpu.memory_space<vmem>>
        %dma_wait3A_718 = arith.constant 0 : i32
        %dma_wait3A_719 = arith.constant 0 : i32
        %dma_wait3A_720 = tpu.memref_slice %arg4[%select_n3A_696, %dma_wait3A_713, %select_n3A_712, %dma_wait3A_718, %dma_wait3A_719] : memref<6x8x128x8x128xf32, #tpu.memory_space<hbm>> -> memref<1x1x1x8x128xf32, #tpu.memory_space<hbm>>
        %dma_wait3A_721 = tpu.memref_squeeze %dma_wait3A_720 : memref<1x1x1x8x128xf32, #tpu.memory_space<hbm>> -> memref<8x128xf32, #tpu.memory_space<hbm>>
        %dma_wait3A_722 = tpu.memref_slice %arg9[%rem3A_400] : memref<2x!tpu.dma_semaphore, #tpu.memory_space<semaphore_mem>> -> memref<1x!tpu.dma_semaphore, #tpu.memory_space<semaphore_mem>>
        %dma_wait3A_723 = tpu.memref_squeeze %dma_wait3A_722 : memref<1x!tpu.dma_semaphore, #tpu.memory_space<semaphore_mem>> -> memref<!tpu.dma_semaphore, #tpu.memory_space<semaphore_mem>>
        %dma_wait3A_724 = arith.constant 0 : i32
        %dma_wait3A_725 = arith.constant 0 : i32
        %dma_wait3A_726 = tpu.memref_slice %arg4[%select_n3A_696, %dma_wait3A_713, %select_n3A_712, %dma_wait3A_724, %dma_wait3A_725] : memref<6x8x128x8x128xf32, #tpu.memory_space<hbm>> -> memref<1x1x1x8x128xf32, #tpu.memory_space<hbm>>
        %dma_wait3A_727 = tpu.memref_squeeze %dma_wait3A_726 : memref<1x1x1x8x128xf32, #tpu.memory_space<hbm>> -> memref<8x128xf32, #tpu.memory_space<hbm>>
        %dma_wait3A_728 = arith.constant 0 : i32
        %dma_wait3A_729 = arith.constant 0 : i32
        %dma_wait3A_730 = tpu.memref_slice %arg8[%rem3A_400, %dma_wait3A_728, %dma_wait3A_729] : memref<2x64x128xf32, #tpu.memory_space<vmem>> -> memref<1x8x128xf32, #tpu.memory_space<vmem>>
        %dma_wait3A_731 = tpu.memref_squeeze %dma_wait3A_730 : memref<1x8x128xf32, #tpu.memory_space<vmem>> -> memref<8x128xf32, #tpu.memory_space<vmem>>
        tpu.wait_dma2 semaphore(%dma_wait3A_723 : memref<!tpu.dma_semaphore, #tpu.memory_space<semaphore_mem>>) src(%dma_wait3A_731 : memref<8x128xf32, #tpu.memory_space<vmem>>) dst(%dma_wait3A_727 : memref<8x128xf32, #tpu.memory_space<hbm>>)
        %dma_wait3A_732 = arith.constant 1 : i32
        %dma_wait3A_733 = arith.constant 8 : i32
        %dma_wait3A_734 = arith.constant 0 : i32
        %dma_wait3A_735 = tpu.memref_slice %arg8[%rem3A_400, %dma_wait3A_733, %dma_wait3A_734] : memref<2x64x128xf32, #tpu.memory_space<vmem>> -> memref<1x8x128xf32, #tpu.memory_space<vmem>>
        %dma_wait3A_736 = tpu.memref_squeeze %dma_wait3A_735 : memref<1x8x128xf32, #tpu.memory_space<vmem>> -> memref<8x128xf32, #tpu.memory_space<vmem>>
        %dma_wait3A_737 = arith.constant 0 : i32
        %dma_wait3A_738 = arith.constant 0 : i32
        %dma_wait3A_739 = tpu.memref_slice %arg4[%select_n3A_696, %dma_wait3A_732, %select_n3A_712, %dma_wait3A_737, %dma_wait3A_738] : memref<6x8x128x8x128xf32, #tpu.memory_space<hbm>> -> memref<1x1x1x8x128xf32, #tpu.memory_space<hbm>>
        %dma_wait3A_740 = tpu.memref_squeeze %dma_wait3A_739 : memref<1x1x1x8x128xf32, #tpu.memory_space<hbm>> -> memref<8x128xf32, #tpu.memory_space<hbm>>
        %dma_wait3A_741 = tpu.memref_slice %arg9[%rem3A_400] : memref<2x!tpu.dma_semaphore, #tpu.memory_space<semaphore_mem>> -> memref<1x!tpu.dma_semaphore, #tpu.memory_space<semaphore_mem>>
        %dma_wait3A_742 = tpu.memref_squeeze %dma_wait3A_741 : memref<1x!tpu.dma_semaphore, #tpu.memory_space<semaphore_mem>> -> memref<!tpu.dma_semaphore, #tpu.memory_space<semaphore_mem>>
        %dma_wait3A_743 = arith.constant 0 : i32
        %dma_wait3A_744 = arith.constant 0 : i32
        %dma_wait3A_745 = tpu.memref_slice %arg4[%select_n3A_696, %dma_wait3A_732, %select_n3A_712, %dma_wait3A_743, %dma_wait3A_744] : memref<6x8x128x8x128xf32, #tpu.memory_space<hbm>> -> memref<1x1x1x8x128xf32, #tpu.memory_space<hbm>>
        %dma_wait3A_746 = tpu.memref_squeeze %dma_wait3A_745 : memref<1x1x1x8x128xf32, #tpu.memory_space<hbm>> -> memref<8x128xf32, #tpu.memory_space<hbm>>
        %dma_wait3A_747 = arith.constant 8 : i32
        %dma_wait3A_748 = arith.constant 0 : i32
        %dma_wait3A_749 = tpu.memref_slice %arg8[%rem3A_400, %dma_wait3A_747, %dma_wait3A_748] : memref<2x64x128xf32, #tpu.memory_space<vmem>> -> memref<1x8x128xf32, #tpu.memory_space<vmem>>
        %dma_wait3A_750 = tpu.memref_squeeze %dma_wait3A_749 : memref<1x8x128xf32, #tpu.memory_space<vmem>> -> memref<8x128xf32, #tpu.memory_space<vmem>>
        tpu.wait_dma2 semaphore(%dma_wait3A_742 : memref<!tpu.dma_semaphore, #tpu.memory_space<semaphore_mem>>) src(%dma_wait3A_750 : memref<8x128xf32, #tpu.memory_space<vmem>>) dst(%dma_wait3A_746 : memref<8x128xf32, #tpu.memory_space<hbm>>)
        %dma_wait3A_751 = arith.constant 2 : i32
        %dma_wait3A_752 = arith.constant 16 : i32
        %dma_wait3A_753 = arith.constant 0 : i32
        %dma_wait3A_754 = tpu.memref_slice %arg8[%rem3A_400, %dma_wait3A_752, %dma_wait3A_753] : memref<2x64x128xf32, #tpu.memory_space<vmem>> -> memref<1x8x128xf32, #tpu.memory_space<vmem>>
        %dma_wait3A_755 = tpu.memref_squeeze %dma_wait3A_754 : memref<1x8x128xf32, #tpu.memory_space<vmem>> -> memref<8x128xf32, #tpu.memory_space<vmem>>
        %dma_wait3A_756 = arith.constant 0 : i32
        %dma_wait3A_757 = arith.constant 0 : i32
        %dma_wait3A_758 = tpu.memref_slice %arg4[%select_n3A_696, %dma_wait3A_751, %select_n3A_712, %dma_wait3A_756, %dma_wait3A_757] : memref<6x8x128x8x128xf32, #tpu.memory_space<hbm>> -> memref<1x1x1x8x128xf32, #tpu.memory_space<hbm>>
        %dma_wait3A_759 = tpu.memref_squeeze %dma_wait3A_758 : memref<1x1x1x8x128xf32, #tpu.memory_space<hbm>> -> memref<8x128xf32, #tpu.memory_space<hbm>>
        %dma_wait3A_760 = tpu.memref_slice %arg9[%rem3A_400] : memref<2x!tpu.dma_semaphore, #tpu.memory_space<semaphore_mem>> -> memref<1x!tpu.dma_semaphore, #tpu.memory_space<semaphore_mem>>
        %dma_wait3A_761 = tpu.memref_squeeze %dma_wait3A_760 : memref<1x!tpu.dma_semaphore, #tpu.memory_space<semaphore_mem>> -> memref<!tpu.dma_semaphore, #tpu.memory_space<semaphore_mem>>
        %dma_wait3A_762 = arith.constant 0 : i32
        %dma_wait3A_763 = arith.constant 0 : i32
        %dma_wait3A_764 = tpu.memref_slice %arg4[%select_n3A_696, %dma_wait3A_751, %select_n3A_712, %dma_wait3A_762, %dma_wait3A_763] : memref<6x8x128x8x128xf32, #tpu.memory_space<hbm>> -> memref<1x1x1x8x128xf32, #tpu.memory_space<hbm>>
        %dma_wait3A_765 = tpu.memref_squeeze %dma_wait3A_764 : memref<1x1x1x8x128xf32, #tpu.memory_space<hbm>> -> memref<8x128xf32, #tpu.memory_space<hbm>>
        %dma_wait3A_766 = arith.constant 16 : i32
        %dma_wait3A_767 = arith.constant 0 : i32
        %dma_wait3A_768 = tpu.memref_slice %arg8[%rem3A_400, %dma_wait3A_766, %dma_wait3A_767] : memref<2x64x128xf32, #tpu.memory_space<vmem>> -> memref<1x8x128xf32, #tpu.memory_space<vmem>>
        %dma_wait3A_769 = tpu.memref_squeeze %dma_wait3A_768 : memref<1x8x128xf32, #tpu.memory_space<vmem>> -> memref<8x128xf32, #tpu.memory_space<vmem>>
        tpu.wait_dma2 semaphore(%dma_wait3A_761 : memref<!tpu.dma_semaphore, #tpu.memory_space<semaphore_mem>>) src(%dma_wait3A_769 : memref<8x128xf32, #tpu.memory_space<vmem>>) dst(%dma_wait3A_765 : memref<8x128xf32, #tpu.memory_space<hbm>>)
        %dma_wait3A_770 = arith.constant 3 : i32
        %dma_wait3A_771 = arith.constant 24 : i32
        %dma_wait3A_772 = arith.constant 0 : i32
        %dma_wait3A_773 = tpu.memref_slice %arg8[%rem3A_400, %dma_wait3A_771, %dma_wait3A_772] : memref<2x64x128xf32, #tpu.memory_space<vmem>> -> memref<1x8x128xf32, #tpu.memory_space<vmem>>
        %dma_wait3A_774 = tpu.memref_squeeze %dma_wait3A_773 : memref<1x8x128xf32, #tpu.memory_space<vmem>> -> memref<8x128xf32, #tpu.memory_space<vmem>>
        %dma_wait3A_775 = arith.constant 0 : i32
        %dma_wait3A_776 = arith.constant 0 : i32
        %dma_wait3A_777 = tpu.memref_slice %arg4[%select_n3A_696, %dma_wait3A_770, %select_n3A_712, %dma_wait3A_775, %dma_wait3A_776] : memref<6x8x128x8x128xf32, #tpu.memory_space<hbm>> -> memref<1x1x1x8x128xf32, #tpu.memory_space<hbm>>
        %dma_wait3A_778 = tpu.memref_squeeze %dma_wait3A_777 : memref<1x1x1x8x128xf32, #tpu.memory_space<hbm>> -> memref<8x128xf32, #tpu.memory_space<hbm>>
        %dma_wait3A_779 = tpu.memref_slice %arg9[%rem3A_400] : memref<2x!tpu.dma_semaphore, #tpu.memory_space<semaphore_mem>> -> memref<1x!tpu.dma_semaphore, #tpu.memory_space<semaphore_mem>>
        %dma_wait3A_780 = tpu.memref_squeeze %dma_wait3A_779 : memref<1x!tpu.dma_semaphore, #tpu.memory_space<semaphore_mem>> -> memref<!tpu.dma_semaphore, #tpu.memory_space<semaphore_mem>>
        %dma_wait3A_781 = arith.constant 0 : i32
        %dma_wait3A_782 = arith.constant 0 : i32
        %dma_wait3A_783 = tpu.memref_slice %arg4[%select_n3A_696, %dma_wait3A_770, %select_n3A_712, %dma_wait3A_781, %dma_wait3A_782] : memref<6x8x128x8x128xf32, #tpu.memory_space<hbm>> -> memref<1x1x1x8x128xf32, #tpu.memory_space<hbm>>
        %dma_wait3A_784 = tpu.memref_squeeze %dma_wait3A_783 : memref<1x1x1x8x128xf32, #tpu.memory_space<hbm>> -> memref<8x128xf32, #tpu.memory_space<hbm>>
        %dma_wait3A_785 = arith.constant 24 : i32
        %dma_wait3A_786 = arith.constant 0 : i32
        %dma_wait3A_787 = tpu.memref_slice %arg8[%rem3A_400, %dma_wait3A_785, %dma_wait3A_786] : memref<2x64x128xf32, #tpu.memory_space<vmem>> -> memref<1x8x128xf32, #tpu.memory_space<vmem>>
        %dma_wait3A_788 = tpu.memref_squeeze %dma_wait3A_787 : memref<1x8x128xf32, #tpu.memory_space<vmem>> -> memref<8x128xf32, #tpu.memory_space<vmem>>
        tpu.wait_dma2 semaphore(%dma_wait3A_780 : memref<!tpu.dma_semaphore, #tpu.memory_space<semaphore_mem>>) src(%dma_wait3A_788 : memref<8x128xf32, #tpu.memory_space<vmem>>) dst(%dma_wait3A_784 : memref<8x128xf32, #tpu.memory_space<hbm>>)
        %dma_wait3A_789 = arith.constant 4 : i32
        %dma_wait3A_790 = arith.constant 32 : i32
        %dma_wait3A_791 = arith.constant 0 : i32
        %dma_wait3A_792 = tpu.memref_slice %arg8[%rem3A_400, %dma_wait3A_790, %dma_wait3A_791] : memref<2x64x128xf32, #tpu.memory_space<vmem>> -> memref<1x8x128xf32, #tpu.memory_space<vmem>>
        %dma_wait3A_793 = tpu.memref_squeeze %dma_wait3A_792 : memref<1x8x128xf32, #tpu.memory_space<vmem>> -> memref<8x128xf32, #tpu.memory_space<vmem>>
        %dma_wait3A_794 = arith.constant 0 : i32
        %dma_wait3A_795 = arith.constant 0 : i32
        %dma_wait3A_796 = tpu.memref_slice %arg4[%select_n3A_696, %dma_wait3A_789, %select_n3A_712, %dma_wait3A_794, %dma_wait3A_795] : memref<6x8x128x8x128xf32, #tpu.memory_space<hbm>> -> memref<1x1x1x8x128xf32, #tpu.memory_space<hbm>>
        %dma_wait3A_797 = tpu.memref_squeeze %dma_wait3A_796 : memref<1x1x1x8x128xf32, #tpu.memory_space<hbm>> -> memref<8x128xf32, #tpu.memory_space<hbm>>
        %dma_wait3A_798 = tpu.memref_slice %arg9[%rem3A_400] : memref<2x!tpu.dma_semaphore, #tpu.memory_space<semaphore_mem>> -> memref<1x!tpu.dma_semaphore, #tpu.memory_space<semaphore_mem>>
        %dma_wait3A_799 = tpu.memref_squeeze %dma_wait3A_798 : memref<1x!tpu.dma_semaphore, #tpu.memory_space<semaphore_mem>> -> memref<!tpu.dma_semaphore, #tpu.memory_space<semaphore_mem>>
        %dma_wait3A_800 = arith.constant 0 : i32
        %dma_wait3A_801 = arith.constant 0 : i32
        %dma_wait3A_802 = tpu.memref_slice %arg4[%select_n3A_696, %dma_wait3A_789, %select_n3A_712, %dma_wait3A_800, %dma_wait3A_801] : memref<6x8x128x8x128xf32, #tpu.memory_space<hbm>> -> memref<1x1x1x8x128xf32, #tpu.memory_space<hbm>>
        %dma_wait3A_803 = tpu.memref_squeeze %dma_wait3A_802 : memref<1x1x1x8x128xf32, #tpu.memory_space<hbm>> -> memref<8x128xf32, #tpu.memory_space<hbm>>
        %dma_wait3A_804 = arith.constant 32 : i32
        %dma_wait3A_805 = arith.constant 0 : i32
        %dma_wait3A_806 = tpu.memref_slice %arg8[%rem3A_400, %dma_wait3A_804, %dma_wait3A_805] : memref<2x64x128xf32, #tpu.memory_space<vmem>> -> memref<1x8x128xf32, #tpu.memory_space<vmem>>
        %dma_wait3A_807 = tpu.memref_squeeze %dma_wait3A_806 : memref<1x8x128xf32, #tpu.memory_space<vmem>> -> memref<8x128xf32, #tpu.memory_space<vmem>>
        tpu.wait_dma2 semaphore(%dma_wait3A_799 : memref<!tpu.dma_semaphore, #tpu.memory_space<semaphore_mem>>) src(%dma_wait3A_807 : memref<8x128xf32, #tpu.memory_space<vmem>>) dst(%dma_wait3A_803 : memref<8x128xf32, #tpu.memory_space<hbm>>)
        %dma_wait3A_808 = arith.constant 5 : i32
        %dma_wait3A_809 = arith.constant 40 : i32
        %dma_wait3A_810 = arith.constant 0 : i32
        %dma_wait3A_811 = tpu.memref_slice %arg8[%rem3A_400, %dma_wait3A_809, %dma_wait3A_810] : memref<2x64x128xf32, #tpu.memory_space<vmem>> -> memref<1x8x128xf32, #tpu.memory_space<vmem>>
        %dma_wait3A_812 = tpu.memref_squeeze %dma_wait3A_811 : memref<1x8x128xf32, #tpu.memory_space<vmem>> -> memref<8x128xf32, #tpu.memory_space<vmem>>
        %dma_wait3A_813 = arith.constant 0 : i32
        %dma_wait3A_814 = arith.constant 0 : i32
        %dma_wait3A_815 = tpu.memref_slice %arg4[%select_n3A_696, %dma_wait3A_808, %select_n3A_712, %dma_wait3A_813, %dma_wait3A_814] : memref<6x8x128x8x128xf32, #tpu.memory_space<hbm>> -> memref<1x1x1x8x128xf32, #tpu.memory_space<hbm>>
        %dma_wait3A_816 = tpu.memref_squeeze %dma_wait3A_815 : memref<1x1x1x8x128xf32, #tpu.memory_space<hbm>> -> memref<8x128xf32, #tpu.memory_space<hbm>>
        %dma_wait3A_817 = tpu.memref_slice %arg9[%rem3A_400] : memref<2x!tpu.dma_semaphore, #tpu.memory_space<semaphore_mem>> -> memref<1x!tpu.dma_semaphore, #tpu.memory_space<semaphore_mem>>
        %dma_wait3A_818 = tpu.memref_squeeze %dma_wait3A_817 : memref<1x!tpu.dma_semaphore, #tpu.memory_space<semaphore_mem>> -> memref<!tpu.dma_semaphore, #tpu.memory_space<semaphore_mem>>
        %dma_wait3A_819 = arith.constant 0 : i32
        %dma_wait3A_820 = arith.constant 0 : i32
        %dma_wait3A_821 = tpu.memref_slice %arg4[%select_n3A_696, %dma_wait3A_808, %select_n3A_712, %dma_wait3A_819, %dma_wait3A_820] : memref<6x8x128x8x128xf32, #tpu.memory_space<hbm>> -> memref<1x1x1x8x128xf32, #tpu.memory_space<hbm>>
        %dma_wait3A_822 = tpu.memref_squeeze %dma_wait3A_821 : memref<1x1x1x8x128xf32, #tpu.memory_space<hbm>> -> memref<8x128xf32, #tpu.memory_space<hbm>>
        %dma_wait3A_823 = arith.constant 40 : i32
        %dma_wait3A_824 = arith.constant 0 : i32
        %dma_wait3A_825 = tpu.memref_slice %arg8[%rem3A_400, %dma_wait3A_823, %dma_wait3A_824] : memref<2x64x128xf32, #tpu.memory_space<vmem>> -> memref<1x8x128xf32, #tpu.memory_space<vmem>>
        %dma_wait3A_826 = tpu.memref_squeeze %dma_wait3A_825 : memref<1x8x128xf32, #tpu.memory_space<vmem>> -> memref<8x128xf32, #tpu.memory_space<vmem>>
        tpu.wait_dma2 semaphore(%dma_wait3A_818 : memref<!tpu.dma_semaphore, #tpu.memory_space<semaphore_mem>>) src(%dma_wait3A_826 : memref<8x128xf32, #tpu.memory_space<vmem>>) dst(%dma_wait3A_822 : memref<8x128xf32, #tpu.memory_space<hbm>>)
        %dma_wait3A_827 = arith.constant 6 : i32
        %dma_wait3A_828 = arith.constant 48 : i32
        %dma_wait3A_829 = arith.constant 0 : i32
        %dma_wait3A_830 = tpu.memref_slice %arg8[%rem3A_400, %dma_wait3A_828, %dma_wait3A_829] : memref<2x64x128xf32, #tpu.memory_space<vmem>> -> memref<1x8x128xf32, #tpu.memory_space<vmem>>
        %dma_wait3A_831 = tpu.memref_squeeze %dma_wait3A_830 : memref<1x8x128xf32, #tpu.memory_space<vmem>> -> memref<8x128xf32, #tpu.memory_space<vmem>>
        %dma_wait3A_832 = arith.constant 0 : i32
        %dma_wait3A_833 = arith.constant 0 : i32
        %dma_wait3A_834 = tpu.memref_slice %arg4[%select_n3A_696, %dma_wait3A_827, %select_n3A_712, %dma_wait3A_832, %dma_wait3A_833] : memref<6x8x128x8x128xf32, #tpu.memory_space<hbm>> -> memref<1x1x1x8x128xf32, #tpu.memory_space<hbm>>
        %dma_wait3A_835 = tpu.memref_squeeze %dma_wait3A_834 : memref<1x1x1x8x128xf32, #tpu.memory_space<hbm>> -> memref<8x128xf32, #tpu.memory_space<hbm>>
        %dma_wait3A_836 = tpu.memref_slice %arg9[%rem3A_400] : memref<2x!tpu.dma_semaphore, #tpu.memory_space<semaphore_mem>> -> memref<1x!tpu.dma_semaphore, #tpu.memory_space<semaphore_mem>>
        %dma_wait3A_837 = tpu.memref_squeeze %dma_wait3A_836 : memref<1x!tpu.dma_semaphore, #tpu.memory_space<semaphore_mem>> -> memref<!tpu.dma_semaphore, #tpu.memory_space<semaphore_mem>>
        %dma_wait3A_838 = arith.constant 0 : i32
        %dma_wait3A_839 = arith.constant 0 : i32
        %dma_wait3A_840 = tpu.memref_slice %arg4[%select_n3A_696, %dma_wait3A_827, %select_n3A_712, %dma_wait3A_838, %dma_wait3A_839] : memref<6x8x128x8x128xf32, #tpu.memory_space<hbm>> -> memref<1x1x1x8x128xf32, #tpu.memory_space<hbm>>
        %dma_wait3A_841 = tpu.memref_squeeze %dma_wait3A_840 : memref<1x1x1x8x128xf32, #tpu.memory_space<hbm>> -> memref<8x128xf32, #tpu.memory_space<hbm>>
        %dma_wait3A_842 = arith.constant 48 : i32
        %dma_wait3A_843 = arith.constant 0 : i32
        %dma_wait3A_844 = tpu.memref_slice %arg8[%rem3A_400, %dma_wait3A_842, %dma_wait3A_843] : memref<2x64x128xf32, #tpu.memory_space<vmem>> -> memref<1x8x128xf32, #tpu.memory_space<vmem>>
        %dma_wait3A_845 = tpu.memref_squeeze %dma_wait3A_844 : memref<1x8x128xf32, #tpu.memory_space<vmem>> -> memref<8x128xf32, #tpu.memory_space<vmem>>
        tpu.wait_dma2 semaphore(%dma_wait3A_837 : memref<!tpu.dma_semaphore, #tpu.memory_space<semaphore_mem>>) src(%dma_wait3A_845 : memref<8x128xf32, #tpu.memory_space<vmem>>) dst(%dma_wait3A_841 : memref<8x128xf32, #tpu.memory_space<hbm>>)
        %dma_wait3A_846 = arith.constant 7 : i32
        %dma_wait3A_847 = arith.constant 56 : i32
        %dma_wait3A_848 = arith.constant 0 : i32
        %dma_wait3A_849 = tpu.memref_slice %arg8[%rem3A_400, %dma_wait3A_847, %dma_wait3A_848] : memref<2x64x128xf32, #tpu.memory_space<vmem>> -> memref<1x8x128xf32, #tpu.memory_space<vmem>>
        %dma_wait3A_850 = tpu.memref_squeeze %dma_wait3A_849 : memref<1x8x128xf32, #tpu.memory_space<vmem>> -> memref<8x128xf32, #tpu.memory_space<vmem>>
        %dma_wait3A_851 = arith.constant 0 : i32
        %dma_wait3A_852 = arith.constant 0 : i32
        %dma_wait3A_853 = tpu.memref_slice %arg4[%select_n3A_696, %dma_wait3A_846, %select_n3A_712, %dma_wait3A_851, %dma_wait3A_852] : memref<6x8x128x8x128xf32, #tpu.memory_space<hbm>> -> memref<1x1x1x8x128xf32, #tpu.memory_space<hbm>>
        %dma_wait3A_854 = tpu.memref_squeeze %dma_wait3A_853 : memref<1x1x1x8x128xf32, #tpu.memory_space<hbm>> -> memref<8x128xf32, #tpu.memory_space<hbm>>
        %dma_wait3A_855 = tpu.memref_slice %arg9[%rem3A_400] : memref<2x!tpu.dma_semaphore, #tpu.memory_space<semaphore_mem>> -> memref<1x!tpu.dma_semaphore, #tpu.memory_space<semaphore_mem>>
        %dma_wait3A_856 = tpu.memref_squeeze %dma_wait3A_855 : memref<1x!tpu.dma_semaphore, #tpu.memory_space<semaphore_mem>> -> memref<!tpu.dma_semaphore, #tpu.memory_space<semaphore_mem>>
        %dma_wait3A_857 = arith.constant 0 : i32
        %dma_wait3A_858 = arith.constant 0 : i32
        %dma_wait3A_859 = tpu.memref_slice %arg4[%select_n3A_696, %dma_wait3A_846, %select_n3A_712, %dma_wait3A_857, %dma_wait3A_858] : memref<6x8x128x8x128xf32, #tpu.memory_space<hbm>> -> memref<1x1x1x8x128xf32, #tpu.memory_space<hbm>>
        %dma_wait3A_860 = tpu.memref_squeeze %dma_wait3A_859 : memref<1x1x1x8x128xf32, #tpu.memory_space<hbm>> -> memref<8x128xf32, #tpu.memory_space<hbm>>
        %dma_wait3A_861 = arith.constant 56 : i32
        %dma_wait3A_862 = arith.constant 0 : i32
        %dma_wait3A_863 = tpu.memref_slice %arg8[%rem3A_400, %dma_wait3A_861, %dma_wait3A_862] : memref<2x64x128xf32, #tpu.memory_space<vmem>> -> memref<1x8x128xf32, #tpu.memory_space<vmem>>
        %dma_wait3A_864 = tpu.memref_squeeze %dma_wait3A_863 : memref<1x8x128xf32, #tpu.memory_space<vmem>> -> memref<8x128xf32, #tpu.memory_space<vmem>>
        tpu.wait_dma2 semaphore(%dma_wait3A_856 : memref<!tpu.dma_semaphore, #tpu.memory_space<semaphore_mem>>) src(%dma_wait3A_864 : memref<8x128xf32, #tpu.memory_space<vmem>>) dst(%dma_wait3A_860 : memref<8x128xf32, #tpu.memory_space<hbm>>)
      } else {
      }
      %parallel_loop3A_474 = arith.constant 0 : i32
      %parallel_loop3A_475 = arith.constant 64 : i32
      %parallel_loop3A_476 = arith.constant 1 : i32
      scf.for %parallel_loop3A_670 = %parallel_loop3A_474 to %parallel_loop3A_475 step %parallel_loop3A_476  : i32 {
        %parallel_loop3A_671 = vector.broadcast %parallel_loop3A_670 : i32 to vector<16xi32>
        %parallel_loop3A_672 = arith.addi %mul3A_408, %parallel_loop3A_671 : vector<16xi32>
        %parallel_loop3A_673 = tpu.vector_load_idx %arg7[%parallel_loop3A_672] : memref<19500xf32, #tpu.memory_space<vmem>>[vector<16xi32>], vector<16xf32>,
        %parallel_loop3A_674 = arith.index_cast %rem3A_400 : i32 to index
        %parallel_loop3A_675 = arith.index_cast %parallel_loop3A_670 : i32 to index
        %parallel_loop3A_676 = arith.constant 0 : index
        %parallel_loop3A_677 = tpu.vector_load %arg8[%parallel_loop3A_674, %parallel_loop3A_675, %parallel_loop3A_676] {strides = array<i32>} : memref<2x64x128xf32, #tpu.memory_space<vmem>>, vector<16xf32>,
        tpu.vector_store %arg8[%parallel_loop3A_674, %parallel_loop3A_675, %parallel_loop3A_676], %parallel_loop3A_673 {strides = array<i32>} : memref<2x64x128xf32, #tpu.memory_space<vmem>>, vector<16xf32>,
        %parallel_loop3A_678 = vector.broadcast %parallel_loop3A_670 : i32 to vector<16xi32>
        %parallel_loop3A_679 = arith.addi %mul3A_417, %parallel_loop3A_678 : vector<16xi32>
        %parallel_loop3A_680 = tpu.vector_load_idx %arg7[%parallel_loop3A_679] : memref<19500xf32, #tpu.memory_space<vmem>>[vector<16xi32>], vector<16xf32>,
        %parallel_loop3A_681 = arith.index_cast %rem3A_400 : i32 to index
        %parallel_loop3A_682 = arith.index_cast %parallel_loop3A_670 : i32 to index
        %parallel_loop3A_683 = arith.constant 16 : index
        %parallel_loop3A_684 = tpu.vector_load %arg8[%parallel_loop3A_681, %parallel_loop3A_682, %parallel_loop3A_683] {strides = array<i32>} : memref<2x64x128xf32, #tpu.memory_space<vmem>>, vector<16xf32>,
        tpu.vector_store %arg8[%parallel_loop3A_681, %parallel_loop3A_682, %parallel_loop3A_683], %parallel_loop3A_680 {strides = array<i32>} : memref<2x64x128xf32, #tpu.memory_space<vmem>>, vector<16xf32>,
        %parallel_loop3A_685 = vector.broadcast %parallel_loop3A_670 : i32 to vector<16xi32>
        %parallel_loop3A_686 = arith.addi %mul3A_426, %parallel_loop3A_685 : vector<16xi32>
        %parallel_loop3A_687 = tpu.vector_load_idx %arg7[%parallel_loop3A_686] : memref<19500xf32, #tpu.memory_space<vmem>>[vector<16xi32>], vector<16xf32>,
        %parallel_loop3A_688 = arith.index_cast %rem3A_400 : i32 to index
        %parallel_loop3A_689 = arith.index_cast %parallel_loop3A_670 : i32 to index
        %parallel_loop3A_690 = arith.constant 32 : index
        %parallel_loop3A_691 = tpu.vector_load %arg8[%parallel_loop3A_688, %parallel_loop3A_689, %parallel_loop3A_690] {strides = array<i32>} : memref<2x64x128xf32, #tpu.memory_space<vmem>>, vector<16xf32>,
        tpu.vector_store %arg8[%parallel_loop3A_688, %parallel_loop3A_689, %parallel_loop3A_690], %parallel_loop3A_687 {strides = array<i32>} : memref<2x64x128xf32, #tpu.memory_space<vmem>>, vector<16xf32>,
        %parallel_loop3A_692 = vector.broadcast %parallel_loop3A_670 : i32 to vector<16xi32>
        %parallel_loop3A_693 = arith.addi %mul3A_435, %parallel_loop3A_692 : vector<16xi32>
        %parallel_loop3A_694 = tpu.vector_load_idx %arg7[%parallel_loop3A_693] : memref<19500xf32, #tpu.memory_space<vmem>>[vector<16xi32>], vector<16xf32>,
        %parallel_loop3A_695 = arith.index_cast %rem3A_400 : i32 to index
        %parallel_loop3A_696 = arith.index_cast %parallel_loop3A_670 : i32 to index
        %parallel_loop3A_697 = arith.constant 48 : index
        %parallel_loop3A_698 = tpu.vector_load %arg8[%parallel_loop3A_695, %parallel_loop3A_696, %parallel_loop3A_697] {strides = array<i32>} : memref<2x64x128xf32, #tpu.memory_space<vmem>>, vector<16xf32>,
        tpu.vector_store %arg8[%parallel_loop3A_695, %parallel_loop3A_696, %parallel_loop3A_697], %parallel_loop3A_694 {strides = array<i32>} : memref<2x64x128xf32, #tpu.memory_space<vmem>>, vector<16xf32>,
        %parallel_loop3A_699 = vector.broadcast %parallel_loop3A_670 : i32 to vector<16xi32>
        %parallel_loop3A_700 = arith.addi %mul3A_444, %parallel_loop3A_699 : vector<16xi32>
        %parallel_loop3A_701 = tpu.vector_load_idx %arg7[%parallel_loop3A_700] : memref<19500xf32, #tpu.memory_space<vmem>>[vector<16xi32>], vector<16xf32>,
        %parallel_loop3A_702 = arith.index_cast %rem3A_400 : i32 to index
        %parallel_loop3A_703 = arith.index_cast %parallel_loop3A_670 : i32 to index
        %parallel_loop3A_704 = arith.constant 64 : index
        %parallel_loop3A_705 = tpu.vector_load %arg8[%parallel_loop3A_702, %parallel_loop3A_703, %parallel_loop3A_704] {strides = array<i32>} : memref<2x64x128xf32, #tpu.memory_space<vmem>>, vector<16xf32>,
        tpu.vector_store %arg8[%parallel_loop3A_702, %parallel_loop3A_703, %parallel_loop3A_704], %parallel_loop3A_701 {strides = array<i32>} : memref<2x64x128xf32, #tpu.memory_space<vmem>>, vector<16xf32>,
        %parallel_loop3A_706 = vector.broadcast %parallel_loop3A_670 : i32 to vector<16xi32>
        %parallel_loop3A_707 = arith.addi %mul3A_453, %parallel_loop3A_706 : vector<16xi32>
        %parallel_loop3A_708 = tpu.vector_load_idx %arg7[%parallel_loop3A_707] : memref<19500xf32, #tpu.memory_space<vmem>>[vector<16xi32>], vector<16xf32>,
        %parallel_loop3A_709 = arith.index_cast %rem3A_400 : i32 to index
        %parallel_loop3A_710 = arith.index_cast %parallel_loop3A_670 : i32 to index
        %parallel_loop3A_711 = arith.constant 80 : index
        %parallel_loop3A_712 = tpu.vector_load %arg8[%parallel_loop3A_709, %parallel_loop3A_710, %parallel_loop3A_711] {strides = array<i32>} : memref<2x64x128xf32, #tpu.memory_space<vmem>>, vector<16xf32>,
        tpu.vector_store %arg8[%parallel_loop3A_709, %parallel_loop3A_710, %parallel_loop3A_711], %parallel_loop3A_708 {strides = array<i32>} : memref<2x64x128xf32, #tpu.memory_space<vmem>>, vector<16xf32>,
        %parallel_loop3A_713 = vector.broadcast %parallel_loop3A_670 : i32 to vector<16xi32>
        %parallel_loop3A_714 = arith.addi %mul3A_462, %parallel_loop3A_713 : vector<16xi32>
        %parallel_loop3A_715 = tpu.vector_load_idx %arg7[%parallel_loop3A_714] : memref<19500xf32, #tpu.memory_space<vmem>>[vector<16xi32>], vector<16xf32>,
        %parallel_loop3A_716 = arith.index_cast %rem3A_400 : i32 to index
        %parallel_loop3A_717 = arith.index_cast %parallel_loop3A_670 : i32 to index
        %parallel_loop3A_718 = arith.constant 96 : index
        %parallel_loop3A_719 = tpu.vector_load %arg8[%parallel_loop3A_716, %parallel_loop3A_717, %parallel_loop3A_718] {strides = array<i32>} : memref<2x64x128xf32, #tpu.memory_space<vmem>>, vector<16xf32>,
        tpu.vector_store %arg8[%parallel_loop3A_716, %parallel_loop3A_717, %parallel_loop3A_718], %parallel_loop3A_715 {strides = array<i32>} : memref<2x64x128xf32, #tpu.memory_space<vmem>>, vector<16xf32>,
        %parallel_loop3A_720 = vector.broadcast %parallel_loop3A_670 : i32 to vector<16xi32>
        %parallel_loop3A_721 = arith.addi %mul3A_471, %parallel_loop3A_720 : vector<16xi32>
        %parallel_loop3A_722 = tpu.vector_load_idx %arg7[%parallel_loop3A_721] : memref<19500xf32, #tpu.memory_space<vmem>>[vector<16xi32>], vector<16xf32>,
        %parallel_loop3A_723 = arith.index_cast %rem3A_400 : i32 to index
        %parallel_loop3A_724 = arith.index_cast %parallel_loop3A_670 : i32 to index
        %parallel_loop3A_725 = arith.constant 112 : index
        %parallel_loop3A_726 = tpu.vector_load %arg8[%parallel_loop3A_723, %parallel_loop3A_724, %parallel_loop3A_725] {strides = array<i32>} : memref<2x64x128xf32, #tpu.memory_space<vmem>>, vector<16xf32>,
        tpu.vector_store %arg8[%parallel_loop3A_723, %parallel_loop3A_724, %parallel_loop3A_725], %parallel_loop3A_722 {strides = array<i32>} : memref<2x64x128xf32, #tpu.memory_space<vmem>>, vector<16xf32>,
      } {sc.loop_unroll_factor = 8 : i64, sc.parallel_access}
      %add3A_477 = arith.addi %mul3A_2, %scan3A_398 : i32
      %jit3A_478 = arith.constant 128 : i32
      %div3A_479 = arith.divsi %add3A_477, %jit3A_478 : i32
      %sign3A_480 = arith.constant 0 : i32
      %sign3A_481 = arith.cmpi sgt, %add3A_477, %sign3A_480 : i32
      %sign3A_482 = arith.extui %sign3A_481 : i1 to i32
      %sign3A_483 = arith.constant 0 : i32
      %sign3A_484 = arith.cmpi slt, %add3A_477, %sign3A_483 : i32
      %sign3A_485 = arith.extui %sign3A_484 : i1 to i32
      %sign3A_486 = arith.subi %sign3A_482, %sign3A_485 : i32
      %sign3A_487 = arith.constant 0 : i32
      %sign3A_488 = arith.cmpi sgt, %jit3A_478, %sign3A_487 : i32
      %sign3A_489 = arith.extui %sign3A_488 : i1 to i32
      %sign3A_490 = arith.constant 0 : i32
      %sign3A_491 = arith.cmpi slt, %jit3A_478, %sign3A_490 : i32
      %sign3A_492 = arith.extui %sign3A_491 : i1 to i32
      %sign3A_493 = arith.subi %sign3A_489, %sign3A_492 : i32
      %ne3A_494 = arith.cmpi ne, %sign3A_486, %sign3A_493 : i32
      %rem3A_495 = arith.remsi %add3A_477, %jit3A_478 : i32
      %ne3A_496 = arith.constant 0 : i32
      %ne3A_497 = arith.cmpi ne, %rem3A_495, %ne3A_496 : i32
      %and3A_498 = arith.andi %ne3A_494, %ne3A_497 : i1
      %sub3A_499 = arith.constant 1 : i32
      %sub3A_500 = arith.subi %div3A_479, %sub3A_499 : i32
      %select_n3A_501 = arith.select %and3A_498, %sub3A_500, %div3A_479 : i32
      %jit3A_502 = arith.constant 128 : i32
      %eq3A_503 = arith.constant 0 : i32
      %eq3A_504 = arith.cmpi eq, %jit3A_502, %eq3A_503 : i32
      %jit3A_505 = arith.constant 1 : i32
      %select_n3A_506 = arith.select %eq3A_504, %jit3A_505, %jit3A_502 : i32
      %rem3A_507 = arith.remsi %add3A_477, %select_n3A_506 : i32
      %ne3A_508 = arith.constant 0 : i32
      %ne3A_509 = arith.cmpi ne, %rem3A_507, %ne3A_508 : i32
      %lt3A_510 = arith.constant 0 : i32
      %lt3A_511 = arith.cmpi slt, %rem3A_507, %lt3A_510 : i32
      %lt3A_512 = arith.constant 0 : i32
      %lt3A_513 = arith.cmpi slt, %select_n3A_506, %lt3A_512 : i32
      %ne3A_514 = arith.xori %lt3A_511, %lt3A_513 : i1
      %and3A_515 = arith.andi %ne3A_514, %ne3A_509 : i1
      %add3A_516 = arith.addi %rem3A_507, %select_n3A_506 : i32
      %select_n3A_517 = arith.select %and3A_515, %add3A_516, %rem3A_507 : i32
      %dma_start3A_518 = arith.constant 0 : i32
      %dma_start3A_519 = arith.constant 0 : i32
      %dma_start3A_520 = arith.constant 0 : i32
      %dma_start3A_521 = tpu.memref_slice %arg8[%rem3A_400, %dma_start3A_519, %dma_start3A_520] : memref<2x64x128xf32, #tpu.memory_space<vmem>> -> memref<1x8x128xf32, #tpu.memory_space<vmem>>
      %dma_start3A_522 = tpu.memref_squeeze %dma_start3A_521 : memref<1x8x128xf32, #tpu.memory_space<vmem>> -> memref<8x128xf32, #tpu.memory_space<vmem>>
      %dma_start3A_523 = arith.constant 0 : i32
      %dma_start3A_524 = arith.constant 0 : i32
      %dma_start3A_525 = tpu.memref_slice %arg4[%select_n3A_501, %dma_start3A_518, %select_n3A_517, %dma_start3A_523, %dma_start3A_524] : memref<6x8x128x8x128xf32, #tpu.memory_space<hbm>> -> memref<1x1x1x8x128xf32, #tpu.memory_space<hbm>>
      %dma_start3A_526 = tpu.memref_squeeze %dma_start3A_525 : memref<1x1x1x8x128xf32, #tpu.memory_space<hbm>> -> memref<8x128xf32, #tpu.memory_space<hbm>>
      %dma_start3A_527 = tpu.memref_slice %arg9[%rem3A_400] : memref<2x!tpu.dma_semaphore, #tpu.memory_space<semaphore_mem>> -> memref<1x!tpu.dma_semaphore, #tpu.memory_space<semaphore_mem>>
      %dma_start3A_528 = tpu.memref_squeeze %dma_start3A_527 : memref<1x!tpu.dma_semaphore, #tpu.memory_space<semaphore_mem>> -> memref<!tpu.dma_semaphore, #tpu.memory_space<semaphore_mem>>
      %dma_start3A_529 = arith.constant 0 : i32
      %dma_start3A_530 = arith.constant 0 : i32
      %dma_start3A_531 = tpu.memref_slice %arg4[%select_n3A_501, %dma_start3A_518, %select_n3A_517, %dma_start3A_529, %dma_start3A_530] : memref<6x8x128x8x128xf32, #tpu.memory_space<hbm>> -> memref<1x1x1x8x128xf32, #tpu.memory_space<hbm>>
      %dma_start3A_532 = tpu.memref_squeeze %dma_start3A_531 : memref<1x1x1x8x128xf32, #tpu.memory_space<hbm>> -> memref<8x128xf32, #tpu.memory_space<hbm>>
      %dma_start3A_533 = arith.constant 0 : i32
      %dma_start3A_534 = arith.constant 0 : i32
      %dma_start3A_535 = tpu.memref_slice %arg8[%rem3A_400, %dma_start3A_533, %dma_start3A_534] : memref<2x64x128xf32, #tpu.memory_space<vmem>> -> memref<1x8x128xf32, #tpu.memory_space<vmem>>
      %dma_start3A_536 = tpu.memref_squeeze %dma_start3A_535 : memref<1x8x128xf32, #tpu.memory_space<vmem>> -> memref<8x128xf32, #tpu.memory_space<vmem>>
      tpu.enqueue_dma source(%dma_start3A_536 : memref<8x128xf32, #tpu.memory_space<vmem>>) target(%dma_start3A_532 : memref<8x128xf32, #tpu.memory_space<hbm>>) target_semaphore(%dma_start3A_528 : memref<!tpu.dma_semaphore, #tpu.memory_space<semaphore_mem>>)
      %dma_start3A_537 = arith.constant 1 : i32
      %dma_start3A_538 = arith.constant 8 : i32
      %dma_start3A_539 = arith.constant 0 : i32
      %dma_start3A_540 = tpu.memref_slice %arg8[%rem3A_400, %dma_start3A_538, %dma_start3A_539] : memref<2x64x128xf32, #tpu.memory_space<vmem>> -> memref<1x8x128xf32, #tpu.memory_space<vmem>>
      %dma_start3A_541 = tpu.memref_squeeze %dma_start3A_540 : memref<1x8x128xf32, #tpu.memory_space<vmem>> -> memref<8x128xf32, #tpu.memory_space<vmem>>
      %dma_start3A_542 = arith.constant 0 : i32
      %dma_start3A_543 = arith.constant 0 : i32
      %dma_start3A_544 = tpu.memref_slice %arg4[%select_n3A_501, %dma_start3A_537, %select_n3A_517, %dma_start3A_542, %dma_start3A_543] : memref<6x8x128x8x128xf32, #tpu.memory_space<hbm>> -> memref<1x1x1x8x128xf32, #tpu.memory_space<hbm>>
      %dma_start3A_545 = tpu.memref_squeeze %dma_start3A_544 : memref<1x1x1x8x128xf32, #tpu.memory_space<hbm>> -> memref<8x128xf32, #tpu.memory_space<hbm>>
      %dma_start3A_546 = tpu.memref_slice %arg9[%rem3A_400] : memref<2x!tpu.dma_semaphore, #tpu.memory_space<semaphore_mem>> -> memref<1x!tpu.dma_semaphore, #tpu.memory_space<semaphore_mem>>
      %dma_start3A_547 = tpu.memref_squeeze %dma_start3A_546 : memref<1x!tpu.dma_semaphore, #tpu.memory_space<semaphore_mem>> -> memref<!tpu.dma_semaphore, #tpu.memory_space<semaphore_mem>>
      %dma_start3A_548 = arith.constant 0 : i32
      %dma_start3A_549 = arith.constant 0 : i32
      %dma_start3A_550 = tpu.memref_slice %arg4[%select_n3A_501, %dma_start3A_537, %select_n3A_517, %dma_start3A_548, %dma_start3A_549] : memref<6x8x128x8x128xf32, #tpu.memory_space<hbm>> -> memref<1x1x1x8x128xf32, #tpu.memory_space<hbm>>
      %dma_start3A_551 = tpu.memref_squeeze %dma_start3A_550 : memref<1x1x1x8x128xf32, #tpu.memory_space<hbm>> -> memref<8x128xf32, #tpu.memory_space<hbm>>
      %dma_start3A_552 = arith.constant 8 : i32
      %dma_start3A_553 = arith.constant 0 : i32
      %dma_start3A_554 = tpu.memref_slice %arg8[%rem3A_400, %dma_start3A_552, %dma_start3A_553] : memref<2x64x128xf32, #tpu.memory_space<vmem>> -> memref<1x8x128xf32, #tpu.memory_space<vmem>>
      %dma_start3A_555 = tpu.memref_squeeze %dma_start3A_554 : memref<1x8x128xf32, #tpu.memory_space<vmem>> -> memref<8x128xf32, #tpu.memory_space<vmem>>
      tpu.enqueue_dma source(%dma_start3A_555 : memref<8x128xf32, #tpu.memory_space<vmem>>) target(%dma_start3A_551 : memref<8x128xf32, #tpu.memory_space<hbm>>) target_semaphore(%dma_start3A_547 : memref<!tpu.dma_semaphore, #tpu.memory_space<semaphore_mem>>)
      %dma_start3A_556 = arith.constant 2 : i32
      %dma_start3A_557 = arith.constant 16 : i32
      %dma_start3A_558 = arith.constant 0 : i32
      %dma_start3A_559 = tpu.memref_slice %arg8[%rem3A_400, %dma_start3A_557, %dma_start3A_558] : memref<2x64x128xf32, #tpu.memory_space<vmem>> -> memref<1x8x128xf32, #tpu.memory_space<vmem>>
      %dma_start3A_560 = tpu.memref_squeeze %dma_start3A_559 : memref<1x8x128xf32, #tpu.memory_space<vmem>> -> memref<8x128xf32, #tpu.memory_space<vmem>>
      %dma_start3A_561 = arith.constant 0 : i32
      %dma_start3A_562 = arith.constant 0 : i32
      %dma_start3A_563 = tpu.memref_slice %arg4[%select_n3A_501, %dma_start3A_556, %select_n3A_517, %dma_start3A_561, %dma_start3A_562] : memref<6x8x128x8x128xf32, #tpu.memory_space<hbm>> -> memref<1x1x1x8x128xf32, #tpu.memory_space<hbm>>
      %dma_start3A_564 = tpu.memref_squeeze %dma_start3A_563 : memref<1x1x1x8x128xf32, #tpu.memory_space<hbm>> -> memref<8x128xf32, #tpu.memory_space<hbm>>
      %dma_start3A_565 = tpu.memref_slice %arg9[%rem3A_400] : memref<2x!tpu.dma_semaphore, #tpu.memory_space<semaphore_mem>> -> memref<1x!tpu.dma_semaphore, #tpu.memory_space<semaphore_mem>>
      %dma_start3A_566 = tpu.memref_squeeze %dma_start3A_565 : memref<1x!tpu.dma_semaphore, #tpu.memory_space<semaphore_mem>> -> memref<!tpu.dma_semaphore, #tpu.memory_space<semaphore_mem>>
      %dma_start3A_567 = arith.constant 0 : i32
      %dma_start3A_568 = arith.constant 0 : i32
      %dma_start3A_569 = tpu.memref_slice %arg4[%select_n3A_501, %dma_start3A_556, %select_n3A_517, %dma_start3A_567, %dma_start3A_568] : memref<6x8x128x8x128xf32, #tpu.memory_space<hbm>> -> memref<1x1x1x8x128xf32, #tpu.memory_space<hbm>>
      %dma_start3A_570 = tpu.memref_squeeze %dma_start3A_569 : memref<1x1x1x8x128xf32, #tpu.memory_space<hbm>> -> memref<8x128xf32, #tpu.memory_space<hbm>>
      %dma_start3A_571 = arith.constant 16 : i32
      %dma_start3A_572 = arith.constant 0 : i32
      %dma_start3A_573 = tpu.memref_slice %arg8[%rem3A_400, %dma_start3A_571, %dma_start3A_572] : memref<2x64x128xf32, #tpu.memory_space<vmem>> -> memref<1x8x128xf32, #tpu.memory_space<vmem>>
      %dma_start3A_574 = tpu.memref_squeeze %dma_start3A_573 : memref<1x8x128xf32, #tpu.memory_space<vmem>> -> memref<8x128xf32, #tpu.memory_space<vmem>>
      tpu.enqueue_dma source(%dma_start3A_574 : memref<8x128xf32, #tpu.memory_space<vmem>>) target(%dma_start3A_570 : memref<8x128xf32, #tpu.memory_space<hbm>>) target_semaphore(%dma_start3A_566 : memref<!tpu.dma_semaphore, #tpu.memory_space<semaphore_mem>>)
      %dma_start3A_575 = arith.constant 3 : i32
      %dma_start3A_576 = arith.constant 24 : i32
      %dma_start3A_577 = arith.constant 0 : i32
      %dma_start3A_578 = tpu.memref_slice %arg8[%rem3A_400, %dma_start3A_576, %dma_start3A_577] : memref<2x64x128xf32, #tpu.memory_space<vmem>> -> memref<1x8x128xf32, #tpu.memory_space<vmem>>
      %dma_start3A_579 = tpu.memref_squeeze %dma_start3A_578 : memref<1x8x128xf32, #tpu.memory_space<vmem>> -> memref<8x128xf32, #tpu.memory_space<vmem>>
      %dma_start3A_580 = arith.constant 0 : i32
      %dma_start3A_581 = arith.constant 0 : i32
      %dma_start3A_582 = tpu.memref_slice %arg4[%select_n3A_501, %dma_start3A_575, %select_n3A_517, %dma_start3A_580, %dma_start3A_581] : memref<6x8x128x8x128xf32, #tpu.memory_space<hbm>> -> memref<1x1x1x8x128xf32, #tpu.memory_space<hbm>>
      %dma_start3A_583 = tpu.memref_squeeze %dma_start3A_582 : memref<1x1x1x8x128xf32, #tpu.memory_space<hbm>> -> memref<8x128xf32, #tpu.memory_space<hbm>>
      %dma_start3A_584 = tpu.memref_slice %arg9[%rem3A_400] : memref<2x!tpu.dma_semaphore, #tpu.memory_space<semaphore_mem>> -> memref<1x!tpu.dma_semaphore, #tpu.memory_space<semaphore_mem>>
      %dma_start3A_585 = tpu.memref_squeeze %dma_start3A_584 : memref<1x!tpu.dma_semaphore, #tpu.memory_space<semaphore_mem>> -> memref<!tpu.dma_semaphore, #tpu.memory_space<semaphore_mem>>
      %dma_start3A_586 = arith.constant 0 : i32
      %dma_start3A_587 = arith.constant 0 : i32
      %dma_start3A_588 = tpu.memref_slice %arg4[%select_n3A_501, %dma_start3A_575, %select_n3A_517, %dma_start3A_586, %dma_start3A_587] : memref<6x8x128x8x128xf32, #tpu.memory_space<hbm>> -> memref<1x1x1x8x128xf32, #tpu.memory_space<hbm>>
      %dma_start3A_589 = tpu.memref_squeeze %dma_start3A_588 : memref<1x1x1x8x128xf32, #tpu.memory_space<hbm>> -> memref<8x128xf32, #tpu.memory_space<hbm>>
      %dma_start3A_590 = arith.constant 24 : i32
      %dma_start3A_591 = arith.constant 0 : i32
      %dma_start3A_592 = tpu.memref_slice %arg8[%rem3A_400, %dma_start3A_590, %dma_start3A_591] : memref<2x64x128xf32, #tpu.memory_space<vmem>> -> memref<1x8x128xf32, #tpu.memory_space<vmem>>
      %dma_start3A_593 = tpu.memref_squeeze %dma_start3A_592 : memref<1x8x128xf32, #tpu.memory_space<vmem>> -> memref<8x128xf32, #tpu.memory_space<vmem>>
      tpu.enqueue_dma source(%dma_start3A_593 : memref<8x128xf32, #tpu.memory_space<vmem>>) target(%dma_start3A_589 : memref<8x128xf32, #tpu.memory_space<hbm>>) target_semaphore(%dma_start3A_585 : memref<!tpu.dma_semaphore, #tpu.memory_space<semaphore_mem>>)
      %dma_start3A_594 = arith.constant 4 : i32
      %dma_start3A_595 = arith.constant 32 : i32
      %dma_start3A_596 = arith.constant 0 : i32
      %dma_start3A_597 = tpu.memref_slice %arg8[%rem3A_400, %dma_start3A_595, %dma_start3A_596] : memref<2x64x128xf32, #tpu.memory_space<vmem>> -> memref<1x8x128xf32, #tpu.memory_space<vmem>>
      %dma_start3A_598 = tpu.memref_squeeze %dma_start3A_597 : memref<1x8x128xf32, #tpu.memory_space<vmem>> -> memref<8x128xf32, #tpu.memory_space<vmem>>
      %dma_start3A_599 = arith.constant 0 : i32
      %dma_start3A_600 = arith.constant 0 : i32
      %dma_start3A_601 = tpu.memref_slice %arg4[%select_n3A_501, %dma_start3A_594, %select_n3A_517, %dma_start3A_599, %dma_start3A_600] : memref<6x8x128x8x128xf32, #tpu.memory_space<hbm>> -> memref<1x1x1x8x128xf32, #tpu.memory_space<hbm>>
      %dma_start3A_602 = tpu.memref_squeeze %dma_start3A_601 : memref<1x1x1x8x128xf32, #tpu.memory_space<hbm>> -> memref<8x128xf32, #tpu.memory_space<hbm>>
      %dma_start3A_603 = tpu.memref_slice %arg9[%rem3A_400] : memref<2x!tpu.dma_semaphore, #tpu.memory_space<semaphore_mem>> -> memref<1x!tpu.dma_semaphore, #tpu.memory_space<semaphore_mem>>
      %dma_start3A_604 = tpu.memref_squeeze %dma_start3A_603 : memref<1x!tpu.dma_semaphore, #tpu.memory_space<semaphore_mem>> -> memref<!tpu.dma_semaphore, #tpu.memory_space<semaphore_mem>>
      %dma_start3A_605 = arith.constant 0 : i32
      %dma_start3A_606 = arith.constant 0 : i32
      %dma_start3A_607 = tpu.memref_slice %arg4[%select_n3A_501, %dma_start3A_594, %select_n3A_517, %dma_start3A_605, %dma_start3A_606] : memref<6x8x128x8x128xf32, #tpu.memory_space<hbm>> -> memref<1x1x1x8x128xf32, #tpu.memory_space<hbm>>
      %dma_start3A_608 = tpu.memref_squeeze %dma_start3A_607 : memref<1x1x1x8x128xf32, #tpu.memory_space<hbm>> -> memref<8x128xf32, #tpu.memory_space<hbm>>
      %dma_start3A_609 = arith.constant 32 : i32
      %dma_start3A_610 = arith.constant 0 : i32
      %dma_start3A_611 = tpu.memref_slice %arg8[%rem3A_400, %dma_start3A_609, %dma_start3A_610] : memref<2x64x128xf32, #tpu.memory_space<vmem>> -> memref<1x8x128xf32, #tpu.memory_space<vmem>>
      %dma_start3A_612 = tpu.memref_squeeze %dma_start3A_611 : memref<1x8x128xf32, #tpu.memory_space<vmem>> -> memref<8x128xf32, #tpu.memory_space<vmem>>
      tpu.enqueue_dma source(%dma_start3A_612 : memref<8x128xf32, #tpu.memory_space<vmem>>) target(%dma_start3A_608 : memref<8x128xf32, #tpu.memory_space<hbm>>) target_semaphore(%dma_start3A_604 : memref<!tpu.dma_semaphore, #tpu.memory_space<semaphore_mem>>)
      %dma_start3A_613 = arith.constant 5 : i32
      %dma_start3A_614 = arith.constant 40 : i32
      %dma_start3A_615 = arith.constant 0 : i32
      %dma_start3A_616 = tpu.memref_slice %arg8[%rem3A_400, %dma_start3A_614, %dma_start3A_615] : memref<2x64x128xf32, #tpu.memory_space<vmem>> -> memref<1x8x128xf32, #tpu.memory_space<vmem>>
      %dma_start3A_617 = tpu.memref_squeeze %dma_start3A_616 : memref<1x8x128xf32, #tpu.memory_space<vmem>> -> memref<8x128xf32, #tpu.memory_space<vmem>>
      %dma_start3A_618 = arith.constant 0 : i32
      %dma_start3A_619 = arith.constant 0 : i32
      %dma_start3A_620 = tpu.memref_slice %arg4[%select_n3A_501, %dma_start3A_613, %select_n3A_517, %dma_start3A_618, %dma_start3A_619] : memref<6x8x128x8x128xf32, #tpu.memory_space<hbm>> -> memref<1x1x1x8x128xf32, #tpu.memory_space<hbm>>
      %dma_start3A_621 = tpu.memref_squeeze %dma_start3A_620 : memref<1x1x1x8x128xf32, #tpu.memory_space<hbm>> -> memref<8x128xf32, #tpu.memory_space<hbm>>
      %dma_start3A_622 = tpu.memref_slice %arg9[%rem3A_400] : memref<2x!tpu.dma_semaphore, #tpu.memory_space<semaphore_mem>> -> memref<1x!tpu.dma_semaphore, #tpu.memory_space<semaphore_mem>>
      %dma_start3A_623 = tpu.memref_squeeze %dma_start3A_622 : memref<1x!tpu.dma_semaphore, #tpu.memory_space<semaphore_mem>> -> memref<!tpu.dma_semaphore, #tpu.memory_space<semaphore_mem>>
      %dma_start3A_624 = arith.constant 0 : i32
      %dma_start3A_625 = arith.constant 0 : i32
      %dma_start3A_626 = tpu.memref_slice %arg4[%select_n3A_501, %dma_start3A_613, %select_n3A_517, %dma_start3A_624, %dma_start3A_625] : memref<6x8x128x8x128xf32, #tpu.memory_space<hbm>> -> memref<1x1x1x8x128xf32, #tpu.memory_space<hbm>>
      %dma_start3A_627 = tpu.memref_squeeze %dma_start3A_626 : memref<1x1x1x8x128xf32, #tpu.memory_space<hbm>> -> memref<8x128xf32, #tpu.memory_space<hbm>>
      %dma_start3A_628 = arith.constant 40 : i32
      %dma_start3A_629 = arith.constant 0 : i32
      %dma_start3A_630 = tpu.memref_slice %arg8[%rem3A_400, %dma_start3A_628, %dma_start3A_629] : memref<2x64x128xf32, #tpu.memory_space<vmem>> -> memref<1x8x128xf32, #tpu.memory_space<vmem>>
      %dma_start3A_631 = tpu.memref_squeeze %dma_start3A_630 : memref<1x8x128xf32, #tpu.memory_space<vmem>> -> memref<8x128xf32, #tpu.memory_space<vmem>>
      tpu.enqueue_dma source(%dma_start3A_631 : memref<8x128xf32, #tpu.memory_space<vmem>>) target(%dma_start3A_627 : memref<8x128xf32, #tpu.memory_space<hbm>>) target_semaphore(%dma_start3A_623 : memref<!tpu.dma_semaphore, #tpu.memory_space<semaphore_mem>>)
      %dma_start3A_632 = arith.constant 6 : i32
      %dma_start3A_633 = arith.constant 48 : i32
      %dma_start3A_634 = arith.constant 0 : i32
      %dma_start3A_635 = tpu.memref_slice %arg8[%rem3A_400, %dma_start3A_633, %dma_start3A_634] : memref<2x64x128xf32, #tpu.memory_space<vmem>> -> memref<1x8x128xf32, #tpu.memory_space<vmem>>
      %dma_start3A_636 = tpu.memref_squeeze %dma_start3A_635 : memref<1x8x128xf32, #tpu.memory_space<vmem>> -> memref<8x128xf32, #tpu.memory_space<vmem>>
      %dma_start3A_637 = arith.constant 0 : i32
      %dma_start3A_638 = arith.constant 0 : i32
      %dma_start3A_639 = tpu.memref_slice %arg4[%select_n3A_501, %dma_start3A_632, %select_n3A_517, %dma_start3A_637, %dma_start3A_638] : memref<6x8x128x8x128xf32, #tpu.memory_space<hbm>> -> memref<1x1x1x8x128xf32, #tpu.memory_space<hbm>>
      %dma_start3A_640 = tpu.memref_squeeze %dma_start3A_639 : memref<1x1x1x8x128xf32, #tpu.memory_space<hbm>> -> memref<8x128xf32, #tpu.memory_space<hbm>>
      %dma_start3A_641 = tpu.memref_slice %arg9[%rem3A_400] : memref<2x!tpu.dma_semaphore, #tpu.memory_space<semaphore_mem>> -> memref<1x!tpu.dma_semaphore, #tpu.memory_space<semaphore_mem>>
      %dma_start3A_642 = tpu.memref_squeeze %dma_start3A_641 : memref<1x!tpu.dma_semaphore, #tpu.memory_space<semaphore_mem>> -> memref<!tpu.dma_semaphore, #tpu.memory_space<semaphore_mem>>
      %dma_start3A_643 = arith.constant 0 : i32
      %dma_start3A_644 = arith.constant 0 : i32
      %dma_start3A_645 = tpu.memref_slice %arg4[%select_n3A_501, %dma_start3A_632, %select_n3A_517, %dma_start3A_643, %dma_start3A_644] : memref<6x8x128x8x128xf32, #tpu.memory_space<hbm>> -> memref<1x1x1x8x128xf32, #tpu.memory_space<hbm>>
      %dma_start3A_646 = tpu.memref_squeeze %dma_start3A_645 : memref<1x1x1x8x128xf32, #tpu.memory_space<hbm>> -> memref<8x128xf32, #tpu.memory_space<hbm>>
      %dma_start3A_647 = arith.constant 48 : i32
      %dma_start3A_648 = arith.constant 0 : i32
      %dma_start3A_649 = tpu.memref_slice %arg8[%rem3A_400, %dma_start3A_647, %dma_start3A_648] : memref<2x64x128xf32, #tpu.memory_space<vmem>> -> memref<1x8x128xf32, #tpu.memory_space<vmem>>
      %dma_start3A_650 = tpu.memref_squeeze %dma_start3A_649 : memref<1x8x128xf32, #tpu.memory_space<vmem>> -> memref<8x128xf32, #tpu.memory_space<vmem>>
      tpu.enqueue_dma source(%dma_start3A_650 : memref<8x128xf32, #tpu.memory_space<vmem>>) target(%dma_start3A_646 : memref<8x128xf32, #tpu.memory_space<hbm>>) target_semaphore(%dma_start3A_642 : memref<!tpu.dma_semaphore, #tpu.memory_space<semaphore_mem>>)
      %dma_start3A_651 = arith.constant 7 : i32
      %dma_start3A_652 = arith.constant 56 : i32
      %dma_start3A_653 = arith.constant 0 : i32
      %dma_start3A_654 = tpu.memref_slice %arg8[%rem3A_400, %dma_start3A_652, %dma_start3A_653] : memref<2x64x128xf32, #tpu.memory_space<vmem>> -> memref<1x8x128xf32, #tpu.memory_space<vmem>>
      %dma_start3A_655 = tpu.memref_squeeze %dma_start3A_654 : memref<1x8x128xf32, #tpu.memory_space<vmem>> -> memref<8x128xf32, #tpu.memory_space<vmem>>
      %dma_start3A_656 = arith.constant 0 : i32
      %dma_start3A_657 = arith.constant 0 : i32
      %dma_start3A_658 = tpu.memref_slice %arg4[%select_n3A_501, %dma_start3A_651, %select_n3A_517, %dma_start3A_656, %dma_start3A_657] : memref<6x8x128x8x128xf32, #tpu.memory_space<hbm>> -> memref<1x1x1x8x128xf32, #tpu.memory_space<hbm>>
      %dma_start3A_659 = tpu.memref_squeeze %dma_start3A_658 : memref<1x1x1x8x128xf32, #tpu.memory_space<hbm>> -> memref<8x128xf32, #tpu.memory_space<hbm>>
      %dma_start3A_660 = tpu.memref_slice %arg9[%rem3A_400] : memref<2x!tpu.dma_semaphore, #tpu.memory_space<semaphore_mem>> -> memref<1x!tpu.dma_semaphore, #tpu.memory_space<semaphore_mem>>
      %dma_start3A_661 = tpu.memref_squeeze %dma_start3A_660 : memref<1x!tpu.dma_semaphore, #tpu.memory_space<semaphore_mem>> -> memref<!tpu.dma_semaphore, #tpu.memory_space<semaphore_mem>>
      %dma_start3A_662 = arith.constant 0 : i32
      %dma_start3A_663 = arith.constant 0 : i32
      %dma_start3A_664 = tpu.memref_slice %arg4[%select_n3A_501, %dma_start3A_651, %select_n3A_517, %dma_start3A_662, %dma_start3A_663] : memref<6x8x128x8x128xf32, #tpu.memory_space<hbm>> -> memref<1x1x1x8x128xf32, #tpu.memory_space<hbm>>
      %dma_start3A_665 = tpu.memref_squeeze %dma_start3A_664 : memref<1x1x1x8x128xf32, #tpu.memory_space<hbm>> -> memref<8x128xf32, #tpu.memory_space<hbm>>
      %dma_start3A_666 = arith.constant 56 : i32
      %dma_start3A_667 = arith.constant 0 : i32
      %dma_start3A_668 = tpu.memref_slice %arg8[%rem3A_400, %dma_start3A_666, %dma_start3A_667] : memref<2x64x128xf32, #tpu.memory_space<vmem>> -> memref<1x8x128xf32, #tpu.memory_space<vmem>>
      %dma_start3A_669 = tpu.memref_squeeze %dma_start3A_668 : memref<1x8x128xf32, #tpu.memory_space<vmem>> -> memref<8x128xf32, #tpu.memory_space<vmem>>
      tpu.enqueue_dma source(%dma_start3A_669 : memref<8x128xf32, #tpu.memory_space<vmem>>) target(%dma_start3A_665 : memref<8x128xf32, #tpu.memory_space<hbm>>) target_semaphore(%dma_start3A_661 : memref<!tpu.dma_semaphore, #tpu.memory_space<semaphore_mem>>)
    }
    %scan3A_13 = arith.constant 24 : i32
    %rem3A = arith.constant 22 : i32
    %rem3A_14 = arith.constant 2 : i32
    %rem3A_15 = arith.remsi %rem3A, %rem3A_14 : i32
    %add3A_16 = arith.constant 22 : i32
    %add3A_17 = arith.addi %mul3A_2, %add3A_16 : i32
    %jit3A = arith.constant 128 : i32
    %div3A = arith.divsi %add3A_17, %jit3A : i32
    %sign3A = arith.constant 0 : i32
    %sign3A_18 = arith.cmpi sgt, %add3A_17, %sign3A : i32
    %sign3A_19 = arith.extui %sign3A_18 : i1 to i32
    %sign3A_20 = arith.constant 0 : i32
    %sign3A_21 = arith.cmpi slt, %add3A_17, %sign3A_20 : i32
    %sign3A_22 = arith.extui %sign3A_21 : i1 to i32
    %sign3A_23 = arith.subi %sign3A_19, %sign3A_22 : i32
    %sign3A_24 = arith.constant 0 : i32
    %sign3A_25 = arith.cmpi sgt, %jit3A, %sign3A_24 : i32
    %sign3A_26 = arith.extui %sign3A_25 : i1 to i32
    %sign3A_27 = arith.constant 0 : i32
    %sign3A_28 = arith.cmpi slt, %jit3A, %sign3A_27 : i32
    %sign3A_29 = arith.extui %sign3A_28 : i1 to i32
    %sign3A_30 = arith.subi %sign3A_26, %sign3A_29 : i32
    %ne3A = arith.cmpi ne, %sign3A_23, %sign3A_30 : i32
    %rem3A_31 = arith.remsi %add3A_17, %jit3A : i32
    %ne3A_32 = arith.constant 0 : i32
    %ne3A_33 = arith.cmpi ne, %rem3A_31, %ne3A_32 : i32
    %and3A = arith.andi %ne3A, %ne3A_33 : i1
    %sub3A = arith.constant 1 : i32
    %sub3A_34 = arith.subi %div3A, %sub3A : i32
    %select_n3A = arith.select %and3A, %sub3A_34, %div3A : i32
    %jit3A_35 = arith.constant 128 : i32
    %eq3A = arith.constant 0 : i32
    %eq3A_36 = arith.cmpi eq, %jit3A_35, %eq3A : i32
    %jit3A_37 = arith.constant 1 : i32
    %select_n3A_38 = arith.select %eq3A_36, %jit3A_37, %jit3A_35 : i32
    %rem3A_39 = arith.remsi %add3A_17, %select_n3A_38 : i32
    %ne3A_40 = arith.constant 0 : i32
    %ne3A_41 = arith.cmpi ne, %rem3A_39, %ne3A_40 : i32
    %lt3A = arith.constant 0 : i32
    %lt3A_42 = arith.cmpi slt, %rem3A_39, %lt3A : i32
    %lt3A_43 = arith.constant 0 : i32
    %lt3A_44 = arith.cmpi slt, %select_n3A_38, %lt3A_43 : i32
    %ne3A_45 = arith.xori %lt3A_42, %lt3A_44 : i1
    %and3A_46 = arith.andi %ne3A_45, %ne3A_41 : i1
    %add3A_47 = arith.addi %rem3A_39, %select_n3A_38 : i32
    %select_n3A_48 = arith.select %and3A_46, %add3A_47, %rem3A_39 : i32
    %dma_wait3A_49 = arith.constant 0 : i32
    %dma_wait3A_50 = arith.constant 0 : i32
    %dma_wait3A_51 = arith.constant 0 : i32
    %dma_wait3A_52 = tpu.memref_slice %arg8[%rem3A_15, %dma_wait3A_50, %dma_wait3A_51] : memref<2x64x128xf32, #tpu.memory_space<vmem>> -> memref<1x8x128xf32, #tpu.memory_space<vmem>>
    %dma_wait3A_53 = tpu.memref_squeeze %dma_wait3A_52 : memref<1x8x128xf32, #tpu.memory_space<vmem>> -> memref<8x128xf32, #tpu.memory_space<vmem>>
    %dma_wait3A_54 = arith.constant 0 : i32
    %dma_wait3A_55 = arith.constant 0 : i32
    %dma_wait3A_56 = tpu.memref_slice %arg4[%select_n3A, %dma_wait3A_49, %select_n3A_48, %dma_wait3A_54, %dma_wait3A_55] : memref<6x8x128x8x128xf32, #tpu.memory_space<hbm>> -> memref<1x1x1x8x128xf32, #tpu.memory_space<hbm>>
    %dma_wait3A_57 = tpu.memref_squeeze %dma_wait3A_56 : memref<1x1x1x8x128xf32, #tpu.memory_space<hbm>> -> memref<8x128xf32, #tpu.memory_space<hbm>>
    %dma_wait3A_58 = tpu.memref_slice %arg9[%rem3A_15] : memref<2x!tpu.dma_semaphore, #tpu.memory_space<semaphore_mem>> -> memref<1x!tpu.dma_semaphore, #tpu.memory_space<semaphore_mem>>
    %dma_wait3A_59 = tpu.memref_squeeze %dma_wait3A_58 : memref<1x!tpu.dma_semaphore, #tpu.memory_space<semaphore_mem>> -> memref<!tpu.dma_semaphore, #tpu.memory_space<semaphore_mem>>
    %dma_wait3A_60 = arith.constant 0 : i32
    %dma_wait3A_61 = arith.constant 0 : i32
    %dma_wait3A_62 = tpu.memref_slice %arg4[%select_n3A, %dma_wait3A_49, %select_n3A_48, %dma_wait3A_60, %dma_wait3A_61] : memref<6x8x128x8x128xf32, #tpu.memory_space<hbm>> -> memref<1x1x1x8x128xf32, #tpu.memory_space<hbm>>
    %dma_wait3A_63 = tpu.memref_squeeze %dma_wait3A_62 : memref<1x1x1x8x128xf32, #tpu.memory_space<hbm>> -> memref<8x128xf32, #tpu.memory_space<hbm>>
    %dma_wait3A_64 = arith.constant 0 : i32
    %dma_wait3A_65 = arith.constant 0 : i32
    %dma_wait3A_66 = tpu.memref_slice %arg8[%rem3A_15, %dma_wait3A_64, %dma_wait3A_65] : memref<2x64x128xf32, #tpu.memory_space<vmem>> -> memref<1x8x128xf32, #tpu.memory_space<vmem>>
    %dma_wait3A_67 = tpu.memref_squeeze %dma_wait3A_66 : memref<1x8x128xf32, #tpu.memory_space<vmem>> -> memref<8x128xf32, #tpu.memory_space<vmem>>
    tpu.wait_dma2 semaphore(%dma_wait3A_59 : memref<!tpu.dma_semaphore, #tpu.memory_space<semaphore_mem>>) src(%dma_wait3A_67 : memref<8x128xf32, #tpu.memory_space<vmem>>) dst(%dma_wait3A_63 : memref<8x128xf32, #tpu.memory_space<hbm>>)
    %dma_wait3A_68 = arith.constant 1 : i32
    %dma_wait3A_69 = arith.constant 8 : i32
    %dma_wait3A_70 = arith.constant 0 : i32
    %dma_wait3A_71 = tpu.memref_slice %arg8[%rem3A_15, %dma_wait3A_69, %dma_wait3A_70] : memref<2x64x128xf32, #tpu.memory_space<vmem>> -> memref<1x8x128xf32, #tpu.memory_space<vmem>>
    %dma_wait3A_72 = tpu.memref_squeeze %dma_wait3A_71 : memref<1x8x128xf32, #tpu.memory_space<vmem>> -> memref<8x128xf32, #tpu.memory_space<vmem>>
    %dma_wait3A_73 = arith.constant 0 : i32
    %dma_wait3A_74 = arith.constant 0 : i32
    %dma_wait3A_75 = tpu.memref_slice %arg4[%select_n3A, %dma_wait3A_68, %select_n3A_48, %dma_wait3A_73, %dma_wait3A_74] : memref<6x8x128x8x128xf32, #tpu.memory_space<hbm>> -> memref<1x1x1x8x128xf32, #tpu.memory_space<hbm>>
    %dma_wait3A_76 = tpu.memref_squeeze %dma_wait3A_75 : memref<1x1x1x8x128xf32, #tpu.memory_space<hbm>> -> memref<8x128xf32, #tpu.memory_space<hbm>>
    %dma_wait3A_77 = tpu.memref_slice %arg9[%rem3A_15] : memref<2x!tpu.dma_semaphore, #tpu.memory_space<semaphore_mem>> -> memref<1x!tpu.dma_semaphore, #tpu.memory_space<semaphore_mem>>
    %dma_wait3A_78 = tpu.memref_squeeze %dma_wait3A_77 : memref<1x!tpu.dma_semaphore, #tpu.memory_space<semaphore_mem>> -> memref<!tpu.dma_semaphore, #tpu.memory_space<semaphore_mem>>
    %dma_wait3A_79 = arith.constant 0 : i32
    %dma_wait3A_80 = arith.constant 0 : i32
    %dma_wait3A_81 = tpu.memref_slice %arg4[%select_n3A, %dma_wait3A_68, %select_n3A_48, %dma_wait3A_79, %dma_wait3A_80] : memref<6x8x128x8x128xf32, #tpu.memory_space<hbm>> -> memref<1x1x1x8x128xf32, #tpu.memory_space<hbm>>
    %dma_wait3A_82 = tpu.memref_squeeze %dma_wait3A_81 : memref<1x1x1x8x128xf32, #tpu.memory_space<hbm>> -> memref<8x128xf32, #tpu.memory_space<hbm>>
    %dma_wait3A_83 = arith.constant 8 : i32
    %dma_wait3A_84 = arith.constant 0 : i32
    %dma_wait3A_85 = tpu.memref_slice %arg8[%rem3A_15, %dma_wait3A_83, %dma_wait3A_84] : memref<2x64x128xf32, #tpu.memory_space<vmem>> -> memref<1x8x128xf32, #tpu.memory_space<vmem>>
    %dma_wait3A_86 = tpu.memref_squeeze %dma_wait3A_85 : memref<1x8x128xf32, #tpu.memory_space<vmem>> -> memref<8x128xf32, #tpu.memory_space<vmem>>
    tpu.wait_dma2 semaphore(%dma_wait3A_78 : memref<!tpu.dma_semaphore, #tpu.memory_space<semaphore_mem>>) src(%dma_wait3A_86 : memref<8x128xf32, #tpu.memory_space<vmem>>) dst(%dma_wait3A_82 : memref<8x128xf32, #tpu.memory_space<hbm>>)
    %dma_wait3A_87 = arith.constant 2 : i32
    %dma_wait3A_88 = arith.constant 16 : i32
    %dma_wait3A_89 = arith.constant 0 : i32
    %dma_wait3A_90 = tpu.memref_slice %arg8[%rem3A_15, %dma_wait3A_88, %dma_wait3A_89] : memref<2x64x128xf32, #tpu.memory_space<vmem>> -> memref<1x8x128xf32, #tpu.memory_space<vmem>>
    %dma_wait3A_91 = tpu.memref_squeeze %dma_wait3A_90 : memref<1x8x128xf32, #tpu.memory_space<vmem>> -> memref<8x128xf32, #tpu.memory_space<vmem>>
    %dma_wait3A_92 = arith.constant 0 : i32
    %dma_wait3A_93 = arith.constant 0 : i32
    %dma_wait3A_94 = tpu.memref_slice %arg4[%select_n3A, %dma_wait3A_87, %select_n3A_48, %dma_wait3A_92, %dma_wait3A_93] : memref<6x8x128x8x128xf32, #tpu.memory_space<hbm>> -> memref<1x1x1x8x128xf32, #tpu.memory_space<hbm>>
    %dma_wait3A_95 = tpu.memref_squeeze %dma_wait3A_94 : memref<1x1x1x8x128xf32, #tpu.memory_space<hbm>> -> memref<8x128xf32, #tpu.memory_space<hbm>>
    %dma_wait3A_96 = tpu.memref_slice %arg9[%rem3A_15] : memref<2x!tpu.dma_semaphore, #tpu.memory_space<semaphore_mem>> -> memref<1x!tpu.dma_semaphore, #tpu.memory_space<semaphore_mem>>
    %dma_wait3A_97 = tpu.memref_squeeze %dma_wait3A_96 : memref<1x!tpu.dma_semaphore, #tpu.memory_space<semaphore_mem>> -> memref<!tpu.dma_semaphore, #tpu.memory_space<semaphore_mem>>
    %dma_wait3A_98 = arith.constant 0 : i32
    %dma_wait3A_99 = arith.constant 0 : i32
    %dma_wait3A_100 = tpu.memref_slice %arg4[%select_n3A, %dma_wait3A_87, %select_n3A_48, %dma_wait3A_98, %dma_wait3A_99] : memref<6x8x128x8x128xf32, #tpu.memory_space<hbm>> -> memref<1x1x1x8x128xf32, #tpu.memory_space<hbm>>
    %dma_wait3A_101 = tpu.memref_squeeze %dma_wait3A_100 : memref<1x1x1x8x128xf32, #tpu.memory_space<hbm>> -> memref<8x128xf32, #tpu.memory_space<hbm>>
    %dma_wait3A_102 = arith.constant 16 : i32
    %dma_wait3A_103 = arith.constant 0 : i32
    %dma_wait3A_104 = tpu.memref_slice %arg8[%rem3A_15, %dma_wait3A_102, %dma_wait3A_103] : memref<2x64x128xf32, #tpu.memory_space<vmem>> -> memref<1x8x128xf32, #tpu.memory_space<vmem>>
    %dma_wait3A_105 = tpu.memref_squeeze %dma_wait3A_104 : memref<1x8x128xf32, #tpu.memory_space<vmem>> -> memref<8x128xf32, #tpu.memory_space<vmem>>
    tpu.wait_dma2 semaphore(%dma_wait3A_97 : memref<!tpu.dma_semaphore, #tpu.memory_space<semaphore_mem>>) src(%dma_wait3A_105 : memref<8x128xf32, #tpu.memory_space<vmem>>) dst(%dma_wait3A_101 : memref<8x128xf32, #tpu.memory_space<hbm>>)
    %dma_wait3A_106 = arith.constant 3 : i32
    %dma_wait3A_107 = arith.constant 24 : i32
    %dma_wait3A_108 = arith.constant 0 : i32
    %dma_wait3A_109 = tpu.memref_slice %arg8[%rem3A_15, %dma_wait3A_107, %dma_wait3A_108] : memref<2x64x128xf32, #tpu.memory_space<vmem>> -> memref<1x8x128xf32, #tpu.memory_space<vmem>>
    %dma_wait3A_110 = tpu.memref_squeeze %dma_wait3A_109 : memref<1x8x128xf32, #tpu.memory_space<vmem>> -> memref<8x128xf32, #tpu.memory_space<vmem>>
    %dma_wait3A_111 = arith.constant 0 : i32
    %dma_wait3A_112 = arith.constant 0 : i32
    %dma_wait3A_113 = tpu.memref_slice %arg4[%select_n3A, %dma_wait3A_106, %select_n3A_48, %dma_wait3A_111, %dma_wait3A_112] : memref<6x8x128x8x128xf32, #tpu.memory_space<hbm>> -> memref<1x1x1x8x128xf32, #tpu.memory_space<hbm>>
    %dma_wait3A_114 = tpu.memref_squeeze %dma_wait3A_113 : memref<1x1x1x8x128xf32, #tpu.memory_space<hbm>> -> memref<8x128xf32, #tpu.memory_space<hbm>>
    %dma_wait3A_115 = tpu.memref_slice %arg9[%rem3A_15] : memref<2x!tpu.dma_semaphore, #tpu.memory_space<semaphore_mem>> -> memref<1x!tpu.dma_semaphore, #tpu.memory_space<semaphore_mem>>
    %dma_wait3A_116 = tpu.memref_squeeze %dma_wait3A_115 : memref<1x!tpu.dma_semaphore, #tpu.memory_space<semaphore_mem>> -> memref<!tpu.dma_semaphore, #tpu.memory_space<semaphore_mem>>
    %dma_wait3A_117 = arith.constant 0 : i32
    %dma_wait3A_118 = arith.constant 0 : i32
    %dma_wait3A_119 = tpu.memref_slice %arg4[%select_n3A, %dma_wait3A_106, %select_n3A_48, %dma_wait3A_117, %dma_wait3A_118] : memref<6x8x128x8x128xf32, #tpu.memory_space<hbm>> -> memref<1x1x1x8x128xf32, #tpu.memory_space<hbm>>
    %dma_wait3A_120 = tpu.memref_squeeze %dma_wait3A_119 : memref<1x1x1x8x128xf32, #tpu.memory_space<hbm>> -> memref<8x128xf32, #tpu.memory_space<hbm>>
    %dma_wait3A_121 = arith.constant 24 : i32
    %dma_wait3A_122 = arith.constant 0 : i32
    %dma_wait3A_123 = tpu.memref_slice %arg8[%rem3A_15, %dma_wait3A_121, %dma_wait3A_122] : memref<2x64x128xf32, #tpu.memory_space<vmem>> -> memref<1x8x128xf32, #tpu.memory_space<vmem>>
    %dma_wait3A_124 = tpu.memref_squeeze %dma_wait3A_123 : memref<1x8x128xf32, #tpu.memory_space<vmem>> -> memref<8x128xf32, #tpu.memory_space<vmem>>
    tpu.wait_dma2 semaphore(%dma_wait3A_116 : memref<!tpu.dma_semaphore, #tpu.memory_space<semaphore_mem>>) src(%dma_wait3A_124 : memref<8x128xf32, #tpu.memory_space<vmem>>) dst(%dma_wait3A_120 : memref<8x128xf32, #tpu.memory_space<hbm>>)
    %dma_wait3A_125 = arith.constant 4 : i32
    %dma_wait3A_126 = arith.constant 32 : i32
    %dma_wait3A_127 = arith.constant 0 : i32
    %dma_wait3A_128 = tpu.memref_slice %arg8[%rem3A_15, %dma_wait3A_126, %dma_wait3A_127] : memref<2x64x128xf32, #tpu.memory_space<vmem>> -> memref<1x8x128xf32, #tpu.memory_space<vmem>>
    %dma_wait3A_129 = tpu.memref_squeeze %dma_wait3A_128 : memref<1x8x128xf32, #tpu.memory_space<vmem>> -> memref<8x128xf32, #tpu.memory_space<vmem>>
    %dma_wait3A_130 = arith.constant 0 : i32
    %dma_wait3A_131 = arith.constant 0 : i32
    %dma_wait3A_132 = tpu.memref_slice %arg4[%select_n3A, %dma_wait3A_125, %select_n3A_48, %dma_wait3A_130, %dma_wait3A_131] : memref<6x8x128x8x128xf32, #tpu.memory_space<hbm>> -> memref<1x1x1x8x128xf32, #tpu.memory_space<hbm>>
    %dma_wait3A_133 = tpu.memref_squeeze %dma_wait3A_132 : memref<1x1x1x8x128xf32, #tpu.memory_space<hbm>> -> memref<8x128xf32, #tpu.memory_space<hbm>>
    %dma_wait3A_134 = tpu.memref_slice %arg9[%rem3A_15] : memref<2x!tpu.dma_semaphore, #tpu.memory_space<semaphore_mem>> -> memref<1x!tpu.dma_semaphore, #tpu.memory_space<semaphore_mem>>
    %dma_wait3A_135 = tpu.memref_squeeze %dma_wait3A_134 : memref<1x!tpu.dma_semaphore, #tpu.memory_space<semaphore_mem>> -> memref<!tpu.dma_semaphore, #tpu.memory_space<semaphore_mem>>
    %dma_wait3A_136 = arith.constant 0 : i32
    %dma_wait3A_137 = arith.constant 0 : i32
    %dma_wait3A_138 = tpu.memref_slice %arg4[%select_n3A, %dma_wait3A_125, %select_n3A_48, %dma_wait3A_136, %dma_wait3A_137] : memref<6x8x128x8x128xf32, #tpu.memory_space<hbm>> -> memref<1x1x1x8x128xf32, #tpu.memory_space<hbm>>
    %dma_wait3A_139 = tpu.memref_squeeze %dma_wait3A_138 : memref<1x1x1x8x128xf32, #tpu.memory_space<hbm>> -> memref<8x128xf32, #tpu.memory_space<hbm>>
    %dma_wait3A_140 = arith.constant 32 : i32
    %dma_wait3A_141 = arith.constant 0 : i32
    %dma_wait3A_142 = tpu.memref_slice %arg8[%rem3A_15, %dma_wait3A_140, %dma_wait3A_141] : memref<2x64x128xf32, #tpu.memory_space<vmem>> -> memref<1x8x128xf32, #tpu.memory_space<vmem>>
    %dma_wait3A_143 = tpu.memref_squeeze %dma_wait3A_142 : memref<1x8x128xf32, #tpu.memory_space<vmem>> -> memref<8x128xf32, #tpu.memory_space<vmem>>
    tpu.wait_dma2 semaphore(%dma_wait3A_135 : memref<!tpu.dma_semaphore, #tpu.memory_space<semaphore_mem>>) src(%dma_wait3A_143 : memref<8x128xf32, #tpu.memory_space<vmem>>) dst(%dma_wait3A_139 : memref<8x128xf32, #tpu.memory_space<hbm>>)
    %dma_wait3A_144 = arith.constant 5 : i32
    %dma_wait3A_145 = arith.constant 40 : i32
    %dma_wait3A_146 = arith.constant 0 : i32
    %dma_wait3A_147 = tpu.memref_slice %arg8[%rem3A_15, %dma_wait3A_145, %dma_wait3A_146] : memref<2x64x128xf32, #tpu.memory_space<vmem>> -> memref<1x8x128xf32, #tpu.memory_space<vmem>>
    %dma_wait3A_148 = tpu.memref_squeeze %dma_wait3A_147 : memref<1x8x128xf32, #tpu.memory_space<vmem>> -> memref<8x128xf32, #tpu.memory_space<vmem>>
    %dma_wait3A_149 = arith.constant 0 : i32
    %dma_wait3A_150 = arith.constant 0 : i32
    %dma_wait3A_151 = tpu.memref_slice %arg4[%select_n3A, %dma_wait3A_144, %select_n3A_48, %dma_wait3A_149, %dma_wait3A_150] : memref<6x8x128x8x128xf32, #tpu.memory_space<hbm>> -> memref<1x1x1x8x128xf32, #tpu.memory_space<hbm>>
    %dma_wait3A_152 = tpu.memref_squeeze %dma_wait3A_151 : memref<1x1x1x8x128xf32, #tpu.memory_space<hbm>> -> memref<8x128xf32, #tpu.memory_space<hbm>>
    %dma_wait3A_153 = tpu.memref_slice %arg9[%rem3A_15] : memref<2x!tpu.dma_semaphore, #tpu.memory_space<semaphore_mem>> -> memref<1x!tpu.dma_semaphore, #tpu.memory_space<semaphore_mem>>
    %dma_wait3A_154 = tpu.memref_squeeze %dma_wait3A_153 : memref<1x!tpu.dma_semaphore, #tpu.memory_space<semaphore_mem>> -> memref<!tpu.dma_semaphore, #tpu.memory_space<semaphore_mem>>
    %dma_wait3A_155 = arith.constant 0 : i32
    %dma_wait3A_156 = arith.constant 0 : i32
    %dma_wait3A_157 = tpu.memref_slice %arg4[%select_n3A, %dma_wait3A_144, %select_n3A_48, %dma_wait3A_155, %dma_wait3A_156] : memref<6x8x128x8x128xf32, #tpu.memory_space<hbm>> -> memref<1x1x1x8x128xf32, #tpu.memory_space<hbm>>
    %dma_wait3A_158 = tpu.memref_squeeze %dma_wait3A_157 : memref<1x1x1x8x128xf32, #tpu.memory_space<hbm>> -> memref<8x128xf32, #tpu.memory_space<hbm>>
    %dma_wait3A_159 = arith.constant 40 : i32
    %dma_wait3A_160 = arith.constant 0 : i32
    %dma_wait3A_161 = tpu.memref_slice %arg8[%rem3A_15, %dma_wait3A_159, %dma_wait3A_160] : memref<2x64x128xf32, #tpu.memory_space<vmem>> -> memref<1x8x128xf32, #tpu.memory_space<vmem>>
    %dma_wait3A_162 = tpu.memref_squeeze %dma_wait3A_161 : memref<1x8x128xf32, #tpu.memory_space<vmem>> -> memref<8x128xf32, #tpu.memory_space<vmem>>
    tpu.wait_dma2 semaphore(%dma_wait3A_154 : memref<!tpu.dma_semaphore, #tpu.memory_space<semaphore_mem>>) src(%dma_wait3A_162 : memref<8x128xf32, #tpu.memory_space<vmem>>) dst(%dma_wait3A_158 : memref<8x128xf32, #tpu.memory_space<hbm>>)
    %dma_wait3A_163 = arith.constant 6 : i32
    %dma_wait3A_164 = arith.constant 48 : i32
    %dma_wait3A_165 = arith.constant 0 : i32
    %dma_wait3A_166 = tpu.memref_slice %arg8[%rem3A_15, %dma_wait3A_164, %dma_wait3A_165] : memref<2x64x128xf32, #tpu.memory_space<vmem>> -> memref<1x8x128xf32, #tpu.memory_space<vmem>>
    %dma_wait3A_167 = tpu.memref_squeeze %dma_wait3A_166 : memref<1x8x128xf32, #tpu.memory_space<vmem>> -> memref<8x128xf32, #tpu.memory_space<vmem>>
    %dma_wait3A_168 = arith.constant 0 : i32
    %dma_wait3A_169 = arith.constant 0 : i32
    %dma_wait3A_170 = tpu.memref_slice %arg4[%select_n3A, %dma_wait3A_163, %select_n3A_48, %dma_wait3A_168, %dma_wait3A_169] : memref<6x8x128x8x128xf32, #tpu.memory_space<hbm>> -> memref<1x1x1x8x128xf32, #tpu.memory_space<hbm>>
    %dma_wait3A_171 = tpu.memref_squeeze %dma_wait3A_170 : memref<1x1x1x8x128xf32, #tpu.memory_space<hbm>> -> memref<8x128xf32, #tpu.memory_space<hbm>>
    %dma_wait3A_172 = tpu.memref_slice %arg9[%rem3A_15] : memref<2x!tpu.dma_semaphore, #tpu.memory_space<semaphore_mem>> -> memref<1x!tpu.dma_semaphore, #tpu.memory_space<semaphore_mem>>
    %dma_wait3A_173 = tpu.memref_squeeze %dma_wait3A_172 : memref<1x!tpu.dma_semaphore, #tpu.memory_space<semaphore_mem>> -> memref<!tpu.dma_semaphore, #tpu.memory_space<semaphore_mem>>
    %dma_wait3A_174 = arith.constant 0 : i32
    %dma_wait3A_175 = arith.constant 0 : i32
    %dma_wait3A_176 = tpu.memref_slice %arg4[%select_n3A, %dma_wait3A_163, %select_n3A_48, %dma_wait3A_174, %dma_wait3A_175] : memref<6x8x128x8x128xf32, #tpu.memory_space<hbm>> -> memref<1x1x1x8x128xf32, #tpu.memory_space<hbm>>
    %dma_wait3A_177 = tpu.memref_squeeze %dma_wait3A_176 : memref<1x1x1x8x128xf32, #tpu.memory_space<hbm>> -> memref<8x128xf32, #tpu.memory_space<hbm>>
    %dma_wait3A_178 = arith.constant 48 : i32
    %dma_wait3A_179 = arith.constant 0 : i32
    %dma_wait3A_180 = tpu.memref_slice %arg8[%rem3A_15, %dma_wait3A_178, %dma_wait3A_179] : memref<2x64x128xf32, #tpu.memory_space<vmem>> -> memref<1x8x128xf32, #tpu.memory_space<vmem>>
    %dma_wait3A_181 = tpu.memref_squeeze %dma_wait3A_180 : memref<1x8x128xf32, #tpu.memory_space<vmem>> -> memref<8x128xf32, #tpu.memory_space<vmem>>
    tpu.wait_dma2 semaphore(%dma_wait3A_173 : memref<!tpu.dma_semaphore, #tpu.memory_space<semaphore_mem>>) src(%dma_wait3A_181 : memref<8x128xf32, #tpu.memory_space<vmem>>) dst(%dma_wait3A_177 : memref<8x128xf32, #tpu.memory_space<hbm>>)
    %dma_wait3A_182 = arith.constant 7 : i32
    %dma_wait3A_183 = arith.constant 56 : i32
    %dma_wait3A_184 = arith.constant 0 : i32
    %dma_wait3A_185 = tpu.memref_slice %arg8[%rem3A_15, %dma_wait3A_183, %dma_wait3A_184] : memref<2x64x128xf32, #tpu.memory_space<vmem>> -> memref<1x8x128xf32, #tpu.memory_space<vmem>>
    %dma_wait3A_186 = tpu.memref_squeeze %dma_wait3A_185 : memref<1x8x128xf32, #tpu.memory_space<vmem>> -> memref<8x128xf32, #tpu.memory_space<vmem>>
    %dma_wait3A_187 = arith.constant 0 : i32
    %dma_wait3A_188 = arith.constant 0 : i32
    %dma_wait3A_189 = tpu.memref_slice %arg4[%select_n3A, %dma_wait3A_182, %select_n3A_48, %dma_wait3A_187, %dma_wait3A_188] : memref<6x8x128x8x128xf32, #tpu.memory_space<hbm>> -> memref<1x1x1x8x128xf32, #tpu.memory_space<hbm>>
    %dma_wait3A_190 = tpu.memref_squeeze %dma_wait3A_189 : memref<1x1x1x8x128xf32, #tpu.memory_space<hbm>> -> memref<8x128xf32, #tpu.memory_space<hbm>>
    %dma_wait3A_191 = tpu.memref_slice %arg9[%rem3A_15] : memref<2x!tpu.dma_semaphore, #tpu.memory_space<semaphore_mem>> -> memref<1x!tpu.dma_semaphore, #tpu.memory_space<semaphore_mem>>
    %dma_wait3A_192 = tpu.memref_squeeze %dma_wait3A_191 : memref<1x!tpu.dma_semaphore, #tpu.memory_space<semaphore_mem>> -> memref<!tpu.dma_semaphore, #tpu.memory_space<semaphore_mem>>
    %dma_wait3A_193 = arith.constant 0 : i32
    %dma_wait3A_194 = arith.constant 0 : i32
    %dma_wait3A_195 = tpu.memref_slice %arg4[%select_n3A, %dma_wait3A_182, %select_n3A_48, %dma_wait3A_193, %dma_wait3A_194] : memref<6x8x128x8x128xf32, #tpu.memory_space<hbm>> -> memref<1x1x1x8x128xf32, #tpu.memory_space<hbm>>
    %dma_wait3A_196 = tpu.memref_squeeze %dma_wait3A_195 : memref<1x1x1x8x128xf32, #tpu.memory_space<hbm>> -> memref<8x128xf32, #tpu.memory_space<hbm>>
    %dma_wait3A_197 = arith.constant 56 : i32
    %dma_wait3A_198 = arith.constant 0 : i32
    %dma_wait3A_199 = tpu.memref_slice %arg8[%rem3A_15, %dma_wait3A_197, %dma_wait3A_198] : memref<2x64x128xf32, #tpu.memory_space<vmem>> -> memref<1x8x128xf32, #tpu.memory_space<vmem>>
    %dma_wait3A_200 = tpu.memref_squeeze %dma_wait3A_199 : memref<1x8x128xf32, #tpu.memory_space<vmem>> -> memref<8x128xf32, #tpu.memory_space<vmem>>
    tpu.wait_dma2 semaphore(%dma_wait3A_192 : memref<!tpu.dma_semaphore, #tpu.memory_space<semaphore_mem>>) src(%dma_wait3A_200 : memref<8x128xf32, #tpu.memory_space<vmem>>) dst(%dma_wait3A_196 : memref<8x128xf32, #tpu.memory_space<hbm>>)
    %rem3A_201 = arith.constant 23 : i32
    %rem3A_202 = arith.constant 2 : i32
    %rem3A_203 = arith.remsi %rem3A_201, %rem3A_202 : i32
    %add3A_204 = arith.constant 23 : i32
    %add3A_205 = arith.addi %mul3A_2, %add3A_204 : i32
    %jit3A_206 = arith.constant 128 : i32
    %div3A_207 = arith.divsi %add3A_205, %jit3A_206 : i32
    %sign3A_208 = arith.constant 0 : i32
    %sign3A_209 = arith.cmpi sgt, %add3A_205, %sign3A_208 : i32
    %sign3A_210 = arith.extui %sign3A_209 : i1 to i32
    %sign3A_211 = arith.constant 0 : i32
    %sign3A_212 = arith.cmpi slt, %add3A_205, %sign3A_211 : i32
    %sign3A_213 = arith.extui %sign3A_212 : i1 to i32
    %sign3A_214 = arith.subi %sign3A_210, %sign3A_213 : i32
    %sign3A_215 = arith.constant 0 : i32
    %sign3A_216 = arith.cmpi sgt, %jit3A_206, %sign3A_215 : i32
    %sign3A_217 = arith.extui %sign3A_216 : i1 to i32
    %sign3A_218 = arith.constant 0 : i32
    %sign3A_219 = arith.cmpi slt, %jit3A_206, %sign3A_218 : i32
    %sign3A_220 = arith.extui %sign3A_219 : i1 to i32
    %sign3A_221 = arith.subi %sign3A_217, %sign3A_220 : i32
    %ne3A_222 = arith.cmpi ne, %sign3A_214, %sign3A_221 : i32
    %rem3A_223 = arith.remsi %add3A_205, %jit3A_206 : i32
    %ne3A_224 = arith.constant 0 : i32
    %ne3A_225 = arith.cmpi ne, %rem3A_223, %ne3A_224 : i32
    %and3A_226 = arith.andi %ne3A_222, %ne3A_225 : i1
    %sub3A_227 = arith.constant 1 : i32
    %sub3A_228 = arith.subi %div3A_207, %sub3A_227 : i32
    %select_n3A_229 = arith.select %and3A_226, %sub3A_228, %div3A_207 : i32
    %jit3A_230 = arith.constant 128 : i32
    %eq3A_231 = arith.constant 0 : i32
    %eq3A_232 = arith.cmpi eq, %jit3A_230, %eq3A_231 : i32
    %jit3A_233 = arith.constant 1 : i32
    %select_n3A_234 = arith.select %eq3A_232, %jit3A_233, %jit3A_230 : i32
    %rem3A_235 = arith.remsi %add3A_205, %select_n3A_234 : i32
    %ne3A_236 = arith.constant 0 : i32
    %ne3A_237 = arith.cmpi ne, %rem3A_235, %ne3A_236 : i32
    %lt3A_238 = arith.constant 0 : i32
    %lt3A_239 = arith.cmpi slt, %rem3A_235, %lt3A_238 : i32
    %lt3A_240 = arith.constant 0 : i32
    %lt3A_241 = arith.cmpi slt, %select_n3A_234, %lt3A_240 : i32
    %ne3A_242 = arith.xori %lt3A_239, %lt3A_241 : i1
    %and3A_243 = arith.andi %ne3A_242, %ne3A_237 : i1
    %add3A_244 = arith.addi %rem3A_235, %select_n3A_234 : i32
    %select_n3A_245 = arith.select %and3A_243, %add3A_244, %rem3A_235 : i32
    %dma_wait3A_246 = arith.constant 0 : i32
    %dma_wait3A_247 = arith.constant 0 : i32
    %dma_wait3A_248 = arith.constant 0 : i32
    %dma_wait3A_249 = tpu.memref_slice %arg8[%rem3A_203, %dma_wait3A_247, %dma_wait3A_248] : memref<2x64x128xf32, #tpu.memory_space<vmem>> -> memref<1x8x128xf32, #tpu.memory_space<vmem>>
    %dma_wait3A_250 = tpu.memref_squeeze %dma_wait3A_249 : memref<1x8x128xf32, #tpu.memory_space<vmem>> -> memref<8x128xf32, #tpu.memory_space<vmem>>
    %dma_wait3A_251 = arith.constant 0 : i32
    %dma_wait3A_252 = arith.constant 0 : i32
    %dma_wait3A_253 = tpu.memref_slice %arg4[%select_n3A_229, %dma_wait3A_246, %select_n3A_245, %dma_wait3A_251, %dma_wait3A_252] : memref<6x8x128x8x128xf32, #tpu.memory_space<hbm>> -> memref<1x1x1x8x128xf32, #tpu.memory_space<hbm>>
    %dma_wait3A_254 = tpu.memref_squeeze %dma_wait3A_253 : memref<1x1x1x8x128xf32, #tpu.memory_space<hbm>> -> memref<8x128xf32, #tpu.memory_space<hbm>>
    %dma_wait3A_255 = tpu.memref_slice %arg9[%rem3A_203] : memref<2x!tpu.dma_semaphore, #tpu.memory_space<semaphore_mem>> -> memref<1x!tpu.dma_semaphore, #tpu.memory_space<semaphore_mem>>
    %dma_wait3A_256 = tpu.memref_squeeze %dma_wait3A_255 : memref<1x!tpu.dma_semaphore, #tpu.memory_space<semaphore_mem>> -> memref<!tpu.dma_semaphore, #tpu.memory_space<semaphore_mem>>
    %dma_wait3A_257 = arith.constant 0 : i32
    %dma_wait3A_258 = arith.constant 0 : i32
    %dma_wait3A_259 = tpu.memref_slice %arg4[%select_n3A_229, %dma_wait3A_246, %select_n3A_245, %dma_wait3A_257, %dma_wait3A_258] : memref<6x8x128x8x128xf32, #tpu.memory_space<hbm>> -> memref<1x1x1x8x128xf32, #tpu.memory_space<hbm>>
    %dma_wait3A_260 = tpu.memref_squeeze %dma_wait3A_259 : memref<1x1x1x8x128xf32, #tpu.memory_space<hbm>> -> memref<8x128xf32, #tpu.memory_space<hbm>>
    %dma_wait3A_261 = arith.constant 0 : i32
    %dma_wait3A_262 = arith.constant 0 : i32
    %dma_wait3A_263 = tpu.memref_slice %arg8[%rem3A_203, %dma_wait3A_261, %dma_wait3A_262] : memref<2x64x128xf32, #tpu.memory_space<vmem>> -> memref<1x8x128xf32, #tpu.memory_space<vmem>>
    %dma_wait3A_264 = tpu.memref_squeeze %dma_wait3A_263 : memref<1x8x128xf32, #tpu.memory_space<vmem>> -> memref<8x128xf32, #tpu.memory_space<vmem>>
    tpu.wait_dma2 semaphore(%dma_wait3A_256 : memref<!tpu.dma_semaphore, #tpu.memory_space<semaphore_mem>>) src(%dma_wait3A_264 : memref<8x128xf32, #tpu.memory_space<vmem>>) dst(%dma_wait3A_260 : memref<8x128xf32, #tpu.memory_space<hbm>>)
    %dma_wait3A_265 = arith.constant 1 : i32
    %dma_wait3A_266 = arith.constant 8 : i32
    %dma_wait3A_267 = arith.constant 0 : i32
    %dma_wait3A_268 = tpu.memref_slice %arg8[%rem3A_203, %dma_wait3A_266, %dma_wait3A_267] : memref<2x64x128xf32, #tpu.memory_space<vmem>> -> memref<1x8x128xf32, #tpu.memory_space<vmem>>
    %dma_wait3A_269 = tpu.memref_squeeze %dma_wait3A_268 : memref<1x8x128xf32, #tpu.memory_space<vmem>> -> memref<8x128xf32, #tpu.memory_space<vmem>>
    %dma_wait3A_270 = arith.constant 0 : i32
    %dma_wait3A_271 = arith.constant 0 : i32
    %dma_wait3A_272 = tpu.memref_slice %arg4[%select_n3A_229, %dma_wait3A_265, %select_n3A_245, %dma_wait3A_270, %dma_wait3A_271] : memref<6x8x128x8x128xf32, #tpu.memory_space<hbm>> -> memref<1x1x1x8x128xf32, #tpu.memory_space<hbm>>
    %dma_wait3A_273 = tpu.memref_squeeze %dma_wait3A_272 : memref<1x1x1x8x128xf32, #tpu.memory_space<hbm>> -> memref<8x128xf32, #tpu.memory_space<hbm>>
    %dma_wait3A_274 = tpu.memref_slice %arg9[%rem3A_203] : memref<2x!tpu.dma_semaphore, #tpu.memory_space<semaphore_mem>> -> memref<1x!tpu.dma_semaphore, #tpu.memory_space<semaphore_mem>>
    %dma_wait3A_275 = tpu.memref_squeeze %dma_wait3A_274 : memref<1x!tpu.dma_semaphore, #tpu.memory_space<semaphore_mem>> -> memref<!tpu.dma_semaphore, #tpu.memory_space<semaphore_mem>>
    %dma_wait3A_276 = arith.constant 0 : i32
    %dma_wait3A_277 = arith.constant 0 : i32
    %dma_wait3A_278 = tpu.memref_slice %arg4[%select_n3A_229, %dma_wait3A_265, %select_n3A_245, %dma_wait3A_276, %dma_wait3A_277] : memref<6x8x128x8x128xf32, #tpu.memory_space<hbm>> -> memref<1x1x1x8x128xf32, #tpu.memory_space<hbm>>
    %dma_wait3A_279 = tpu.memref_squeeze %dma_wait3A_278 : memref<1x1x1x8x128xf32, #tpu.memory_space<hbm>> -> memref<8x128xf32, #tpu.memory_space<hbm>>
    %dma_wait3A_280 = arith.constant 8 : i32
    %dma_wait3A_281 = arith.constant 0 : i32
    %dma_wait3A_282 = tpu.memref_slice %arg8[%rem3A_203, %dma_wait3A_280, %dma_wait3A_281] : memref<2x64x128xf32, #tpu.memory_space<vmem>> -> memref<1x8x128xf32, #tpu.memory_space<vmem>>
    %dma_wait3A_283 = tpu.memref_squeeze %dma_wait3A_282 : memref<1x8x128xf32, #tpu.memory_space<vmem>> -> memref<8x128xf32, #tpu.memory_space<vmem>>
    tpu.wait_dma2 semaphore(%dma_wait3A_275 : memref<!tpu.dma_semaphore, #tpu.memory_space<semaphore_mem>>) src(%dma_wait3A_283 : memref<8x128xf32, #tpu.memory_space<vmem>>) dst(%dma_wait3A_279 : memref<8x128xf32, #tpu.memory_space<hbm>>)
    %dma_wait3A_284 = arith.constant 2 : i32
    %dma_wait3A_285 = arith.constant 16 : i32
    %dma_wait3A_286 = arith.constant 0 : i32
    %dma_wait3A_287 = tpu.memref_slice %arg8[%rem3A_203, %dma_wait3A_285, %dma_wait3A_286] : memref<2x64x128xf32, #tpu.memory_space<vmem>> -> memref<1x8x128xf32, #tpu.memory_space<vmem>>
    %dma_wait3A_288 = tpu.memref_squeeze %dma_wait3A_287 : memref<1x8x128xf32, #tpu.memory_space<vmem>> -> memref<8x128xf32, #tpu.memory_space<vmem>>
    %dma_wait3A_289 = arith.constant 0 : i32
    %dma_wait3A_290 = arith.constant 0 : i32
    %dma_wait3A_291 = tpu.memref_slice %arg4[%select_n3A_229, %dma_wait3A_284, %select_n3A_245, %dma_wait3A_289, %dma_wait3A_290] : memref<6x8x128x8x128xf32, #tpu.memory_space<hbm>> -> memref<1x1x1x8x128xf32, #tpu.memory_space<hbm>>
    %dma_wait3A_292 = tpu.memref_squeeze %dma_wait3A_291 : memref<1x1x1x8x128xf32, #tpu.memory_space<hbm>> -> memref<8x128xf32, #tpu.memory_space<hbm>>
    %dma_wait3A_293 = tpu.memref_slice %arg9[%rem3A_203] : memref<2x!tpu.dma_semaphore, #tpu.memory_space<semaphore_mem>> -> memref<1x!tpu.dma_semaphore, #tpu.memory_space<semaphore_mem>>
    %dma_wait3A_294 = tpu.memref_squeeze %dma_wait3A_293 : memref<1x!tpu.dma_semaphore, #tpu.memory_space<semaphore_mem>> -> memref<!tpu.dma_semaphore, #tpu.memory_space<semaphore_mem>>
    %dma_wait3A_295 = arith.constant 0 : i32
    %dma_wait3A_296 = arith.constant 0 : i32
    %dma_wait3A_297 = tpu.memref_slice %arg4[%select_n3A_229, %dma_wait3A_284, %select_n3A_245, %dma_wait3A_295, %dma_wait3A_296] : memref<6x8x128x8x128xf32, #tpu.memory_space<hbm>> -> memref<1x1x1x8x128xf32, #tpu.memory_space<hbm>>
    %dma_wait3A_298 = tpu.memref_squeeze %dma_wait3A_297 : memref<1x1x1x8x128xf32, #tpu.memory_space<hbm>> -> memref<8x128xf32, #tpu.memory_space<hbm>>
    %dma_wait3A_299 = arith.constant 16 : i32
    %dma_wait3A_300 = arith.constant 0 : i32
    %dma_wait3A_301 = tpu.memref_slice %arg8[%rem3A_203, %dma_wait3A_299, %dma_wait3A_300] : memref<2x64x128xf32, #tpu.memory_space<vmem>> -> memref<1x8x128xf32, #tpu.memory_space<vmem>>
    %dma_wait3A_302 = tpu.memref_squeeze %dma_wait3A_301 : memref<1x8x128xf32, #tpu.memory_space<vmem>> -> memref<8x128xf32, #tpu.memory_space<vmem>>
    tpu.wait_dma2 semaphore(%dma_wait3A_294 : memref<!tpu.dma_semaphore, #tpu.memory_space<semaphore_mem>>) src(%dma_wait3A_302 : memref<8x128xf32, #tpu.memory_space<vmem>>) dst(%dma_wait3A_298 : memref<8x128xf32, #tpu.memory_space<hbm>>)
    %dma_wait3A_303 = arith.constant 3 : i32
    %dma_wait3A_304 = arith.constant 24 : i32
    %dma_wait3A_305 = arith.constant 0 : i32
    %dma_wait3A_306 = tpu.memref_slice %arg8[%rem3A_203, %dma_wait3A_304, %dma_wait3A_305] : memref<2x64x128xf32, #tpu.memory_space<vmem>> -> memref<1x8x128xf32, #tpu.memory_space<vmem>>
    %dma_wait3A_307 = tpu.memref_squeeze %dma_wait3A_306 : memref<1x8x128xf32, #tpu.memory_space<vmem>> -> memref<8x128xf32, #tpu.memory_space<vmem>>
    %dma_wait3A_308 = arith.constant 0 : i32
    %dma_wait3A_309 = arith.constant 0 : i32
    %dma_wait3A_310 = tpu.memref_slice %arg4[%select_n3A_229, %dma_wait3A_303, %select_n3A_245, %dma_wait3A_308, %dma_wait3A_309] : memref<6x8x128x8x128xf32, #tpu.memory_space<hbm>> -> memref<1x1x1x8x128xf32, #tpu.memory_space<hbm>>
    %dma_wait3A_311 = tpu.memref_squeeze %dma_wait3A_310 : memref<1x1x1x8x128xf32, #tpu.memory_space<hbm>> -> memref<8x128xf32, #tpu.memory_space<hbm>>
    %dma_wait3A_312 = tpu.memref_slice %arg9[%rem3A_203] : memref<2x!tpu.dma_semaphore, #tpu.memory_space<semaphore_mem>> -> memref<1x!tpu.dma_semaphore, #tpu.memory_space<semaphore_mem>>
    %dma_wait3A_313 = tpu.memref_squeeze %dma_wait3A_312 : memref<1x!tpu.dma_semaphore, #tpu.memory_space<semaphore_mem>> -> memref<!tpu.dma_semaphore, #tpu.memory_space<semaphore_mem>>
    %dma_wait3A_314 = arith.constant 0 : i32
    %dma_wait3A_315 = arith.constant 0 : i32
    %dma_wait3A_316 = tpu.memref_slice %arg4[%select_n3A_229, %dma_wait3A_303, %select_n3A_245, %dma_wait3A_314, %dma_wait3A_315] : memref<6x8x128x8x128xf32, #tpu.memory_space<hbm>> -> memref<1x1x1x8x128xf32, #tpu.memory_space<hbm>>
    %dma_wait3A_317 = tpu.memref_squeeze %dma_wait3A_316 : memref<1x1x1x8x128xf32, #tpu.memory_space<hbm>> -> memref<8x128xf32, #tpu.memory_space<hbm>>
    %dma_wait3A_318 = arith.constant 24 : i32
    %dma_wait3A_319 = arith.constant 0 : i32
    %dma_wait3A_320 = tpu.memref_slice %arg8[%rem3A_203, %dma_wait3A_318, %dma_wait3A_319] : memref<2x64x128xf32, #tpu.memory_space<vmem>> -> memref<1x8x128xf32, #tpu.memory_space<vmem>>
    %dma_wait3A_321 = tpu.memref_squeeze %dma_wait3A_320 : memref<1x8x128xf32, #tpu.memory_space<vmem>> -> memref<8x128xf32, #tpu.memory_space<vmem>>
    tpu.wait_dma2 semaphore(%dma_wait3A_313 : memref<!tpu.dma_semaphore, #tpu.memory_space<semaphore_mem>>) src(%dma_wait3A_321 : memref<8x128xf32, #tpu.memory_space<vmem>>) dst(%dma_wait3A_317 : memref<8x128xf32, #tpu.memory_space<hbm>>)
    %dma_wait3A_322 = arith.constant 4 : i32
    %dma_wait3A_323 = arith.constant 32 : i32
    %dma_wait3A_324 = arith.constant 0 : i32
    %dma_wait3A_325 = tpu.memref_slice %arg8[%rem3A_203, %dma_wait3A_323, %dma_wait3A_324] : memref<2x64x128xf32, #tpu.memory_space<vmem>> -> memref<1x8x128xf32, #tpu.memory_space<vmem>>
    %dma_wait3A_326 = tpu.memref_squeeze %dma_wait3A_325 : memref<1x8x128xf32, #tpu.memory_space<vmem>> -> memref<8x128xf32, #tpu.memory_space<vmem>>
    %dma_wait3A_327 = arith.constant 0 : i32
    %dma_wait3A_328 = arith.constant 0 : i32
    %dma_wait3A_329 = tpu.memref_slice %arg4[%select_n3A_229, %dma_wait3A_322, %select_n3A_245, %dma_wait3A_327, %dma_wait3A_328] : memref<6x8x128x8x128xf32, #tpu.memory_space<hbm>> -> memref<1x1x1x8x128xf32, #tpu.memory_space<hbm>>
    %dma_wait3A_330 = tpu.memref_squeeze %dma_wait3A_329 : memref<1x1x1x8x128xf32, #tpu.memory_space<hbm>> -> memref<8x128xf32, #tpu.memory_space<hbm>>
    %dma_wait3A_331 = tpu.memref_slice %arg9[%rem3A_203] : memref<2x!tpu.dma_semaphore, #tpu.memory_space<semaphore_mem>> -> memref<1x!tpu.dma_semaphore, #tpu.memory_space<semaphore_mem>>
    %dma_wait3A_332 = tpu.memref_squeeze %dma_wait3A_331 : memref<1x!tpu.dma_semaphore, #tpu.memory_space<semaphore_mem>> -> memref<!tpu.dma_semaphore, #tpu.memory_space<semaphore_mem>>
    %dma_wait3A_333 = arith.constant 0 : i32
    %dma_wait3A_334 = arith.constant 0 : i32
    %dma_wait3A_335 = tpu.memref_slice %arg4[%select_n3A_229, %dma_wait3A_322, %select_n3A_245, %dma_wait3A_333, %dma_wait3A_334] : memref<6x8x128x8x128xf32, #tpu.memory_space<hbm>> -> memref<1x1x1x8x128xf32, #tpu.memory_space<hbm>>
    %dma_wait3A_336 = tpu.memref_squeeze %dma_wait3A_335 : memref<1x1x1x8x128xf32, #tpu.memory_space<hbm>> -> memref<8x128xf32, #tpu.memory_space<hbm>>
    %dma_wait3A_337 = arith.constant 32 : i32
    %dma_wait3A_338 = arith.constant 0 : i32
    %dma_wait3A_339 = tpu.memref_slice %arg8[%rem3A_203, %dma_wait3A_337, %dma_wait3A_338] : memref<2x64x128xf32, #tpu.memory_space<vmem>> -> memref<1x8x128xf32, #tpu.memory_space<vmem>>
    %dma_wait3A_340 = tpu.memref_squeeze %dma_wait3A_339 : memref<1x8x128xf32, #tpu.memory_space<vmem>> -> memref<8x128xf32, #tpu.memory_space<vmem>>
    tpu.wait_dma2 semaphore(%dma_wait3A_332 : memref<!tpu.dma_semaphore, #tpu.memory_space<semaphore_mem>>) src(%dma_wait3A_340 : memref<8x128xf32, #tpu.memory_space<vmem>>) dst(%dma_wait3A_336 : memref<8x128xf32, #tpu.memory_space<hbm>>)
    %dma_wait3A_341 = arith.constant 5 : i32
    %dma_wait3A_342 = arith.constant 40 : i32
    %dma_wait3A_343 = arith.constant 0 : i32
    %dma_wait3A_344 = tpu.memref_slice %arg8[%rem3A_203, %dma_wait3A_342, %dma_wait3A_343] : memref<2x64x128xf32, #tpu.memory_space<vmem>> -> memref<1x8x128xf32, #tpu.memory_space<vmem>>
    %dma_wait3A_345 = tpu.memref_squeeze %dma_wait3A_344 : memref<1x8x128xf32, #tpu.memory_space<vmem>> -> memref<8x128xf32, #tpu.memory_space<vmem>>
    %dma_wait3A_346 = arith.constant 0 : i32
    %dma_wait3A_347 = arith.constant 0 : i32
    %dma_wait3A_348 = tpu.memref_slice %arg4[%select_n3A_229, %dma_wait3A_341, %select_n3A_245, %dma_wait3A_346, %dma_wait3A_347] : memref<6x8x128x8x128xf32, #tpu.memory_space<hbm>> -> memref<1x1x1x8x128xf32, #tpu.memory_space<hbm>>
    %dma_wait3A_349 = tpu.memref_squeeze %dma_wait3A_348 : memref<1x1x1x8x128xf32, #tpu.memory_space<hbm>> -> memref<8x128xf32, #tpu.memory_space<hbm>>
    %dma_wait3A_350 = tpu.memref_slice %arg9[%rem3A_203] : memref<2x!tpu.dma_semaphore, #tpu.memory_space<semaphore_mem>> -> memref<1x!tpu.dma_semaphore, #tpu.memory_space<semaphore_mem>>
    %dma_wait3A_351 = tpu.memref_squeeze %dma_wait3A_350 : memref<1x!tpu.dma_semaphore, #tpu.memory_space<semaphore_mem>> -> memref<!tpu.dma_semaphore, #tpu.memory_space<semaphore_mem>>
    %dma_wait3A_352 = arith.constant 0 : i32
    %dma_wait3A_353 = arith.constant 0 : i32
    %dma_wait3A_354 = tpu.memref_slice %arg4[%select_n3A_229, %dma_wait3A_341, %select_n3A_245, %dma_wait3A_352, %dma_wait3A_353] : memref<6x8x128x8x128xf32, #tpu.memory_space<hbm>> -> memref<1x1x1x8x128xf32, #tpu.memory_space<hbm>>
    %dma_wait3A_355 = tpu.memref_squeeze %dma_wait3A_354 : memref<1x1x1x8x128xf32, #tpu.memory_space<hbm>> -> memref<8x128xf32, #tpu.memory_space<hbm>>
    %dma_wait3A_356 = arith.constant 40 : i32
    %dma_wait3A_357 = arith.constant 0 : i32
    %dma_wait3A_358 = tpu.memref_slice %arg8[%rem3A_203, %dma_wait3A_356, %dma_wait3A_357] : memref<2x64x128xf32, #tpu.memory_space<vmem>> -> memref<1x8x128xf32, #tpu.memory_space<vmem>>
    %dma_wait3A_359 = tpu.memref_squeeze %dma_wait3A_358 : memref<1x8x128xf32, #tpu.memory_space<vmem>> -> memref<8x128xf32, #tpu.memory_space<vmem>>
    tpu.wait_dma2 semaphore(%dma_wait3A_351 : memref<!tpu.dma_semaphore, #tpu.memory_space<semaphore_mem>>) src(%dma_wait3A_359 : memref<8x128xf32, #tpu.memory_space<vmem>>) dst(%dma_wait3A_355 : memref<8x128xf32, #tpu.memory_space<hbm>>)
    %dma_wait3A_360 = arith.constant 6 : i32
    %dma_wait3A_361 = arith.constant 48 : i32
    %dma_wait3A_362 = arith.constant 0 : i32
    %dma_wait3A_363 = tpu.memref_slice %arg8[%rem3A_203, %dma_wait3A_361, %dma_wait3A_362] : memref<2x64x128xf32, #tpu.memory_space<vmem>> -> memref<1x8x128xf32, #tpu.memory_space<vmem>>
    %dma_wait3A_364 = tpu.memref_squeeze %dma_wait3A_363 : memref<1x8x128xf32, #tpu.memory_space<vmem>> -> memref<8x128xf32, #tpu.memory_space<vmem>>
    %dma_wait3A_365 = arith.constant 0 : i32
    %dma_wait3A_366 = arith.constant 0 : i32
    %dma_wait3A_367 = tpu.memref_slice %arg4[%select_n3A_229, %dma_wait3A_360, %select_n3A_245, %dma_wait3A_365, %dma_wait3A_366] : memref<6x8x128x8x128xf32, #tpu.memory_space<hbm>> -> memref<1x1x1x8x128xf32, #tpu.memory_space<hbm>>
    %dma_wait3A_368 = tpu.memref_squeeze %dma_wait3A_367 : memref<1x1x1x8x128xf32, #tpu.memory_space<hbm>> -> memref<8x128xf32, #tpu.memory_space<hbm>>
    %dma_wait3A_369 = tpu.memref_slice %arg9[%rem3A_203] : memref<2x!tpu.dma_semaphore, #tpu.memory_space<semaphore_mem>> -> memref<1x!tpu.dma_semaphore, #tpu.memory_space<semaphore_mem>>
    %dma_wait3A_370 = tpu.memref_squeeze %dma_wait3A_369 : memref<1x!tpu.dma_semaphore, #tpu.memory_space<semaphore_mem>> -> memref<!tpu.dma_semaphore, #tpu.memory_space<semaphore_mem>>
    %dma_wait3A_371 = arith.constant 0 : i32
    %dma_wait3A_372 = arith.constant 0 : i32
    %dma_wait3A_373 = tpu.memref_slice %arg4[%select_n3A_229, %dma_wait3A_360, %select_n3A_245, %dma_wait3A_371, %dma_wait3A_372] : memref<6x8x128x8x128xf32, #tpu.memory_space<hbm>> -> memref<1x1x1x8x128xf32, #tpu.memory_space<hbm>>
    %dma_wait3A_374 = tpu.memref_squeeze %dma_wait3A_373 : memref<1x1x1x8x128xf32, #tpu.memory_space<hbm>> -> memref<8x128xf32, #tpu.memory_space<hbm>>
    %dma_wait3A_375 = arith.constant 48 : i32
    %dma_wait3A_376 = arith.constant 0 : i32
    %dma_wait3A_377 = tpu.memref_slice %arg8[%rem3A_203, %dma_wait3A_375, %dma_wait3A_376] : memref<2x64x128xf32, #tpu.memory_space<vmem>> -> memref<1x8x128xf32, #tpu.memory_space<vmem>>
    %dma_wait3A_378 = tpu.memref_squeeze %dma_wait3A_377 : memref<1x8x128xf32, #tpu.memory_space<vmem>> -> memref<8x128xf32, #tpu.memory_space<vmem>>
    tpu.wait_dma2 semaphore(%dma_wait3A_370 : memref<!tpu.dma_semaphore, #tpu.memory_space<semaphore_mem>>) src(%dma_wait3A_378 : memref<8x128xf32, #tpu.memory_space<vmem>>) dst(%dma_wait3A_374 : memref<8x128xf32, #tpu.memory_space<hbm>>)
    %dma_wait3A_379 = arith.constant 7 : i32
    %dma_wait3A_380 = arith.constant 56 : i32
    %dma_wait3A_381 = arith.constant 0 : i32
    %dma_wait3A_382 = tpu.memref_slice %arg8[%rem3A_203, %dma_wait3A_380, %dma_wait3A_381] : memref<2x64x128xf32, #tpu.memory_space<vmem>> -> memref<1x8x128xf32, #tpu.memory_space<vmem>>
    %dma_wait3A_383 = tpu.memref_squeeze %dma_wait3A_382 : memref<1x8x128xf32, #tpu.memory_space<vmem>> -> memref<8x128xf32, #tpu.memory_space<vmem>>
    %dma_wait3A_384 = arith.constant 0 : i32
    %dma_wait3A_385 = arith.constant 0 : i32
    %dma_wait3A_386 = tpu.memref_slice %arg4[%select_n3A_229, %dma_wait3A_379, %select_n3A_245, %dma_wait3A_384, %dma_wait3A_385] : memref<6x8x128x8x128xf32, #tpu.memory_space<hbm>> -> memref<1x1x1x8x128xf32, #tpu.memory_space<hbm>>
    %dma_wait3A_387 = tpu.memref_squeeze %dma_wait3A_386 : memref<1x1x1x8x128xf32, #tpu.memory_space<hbm>> -> memref<8x128xf32, #tpu.memory_space<hbm>>
    %dma_wait3A_388 = tpu.memref_slice %arg9[%rem3A_203] : memref<2x!tpu.dma_semaphore, #tpu.memory_space<semaphore_mem>> -> memref<1x!tpu.dma_semaphore, #tpu.memory_space<semaphore_mem>>
    %dma_wait3A_389 = tpu.memref_squeeze %dma_wait3A_388 : memref<1x!tpu.dma_semaphore, #tpu.memory_space<semaphore_mem>> -> memref<!tpu.dma_semaphore, #tpu.memory_space<semaphore_mem>>
    %dma_wait3A_390 = arith.constant 0 : i32
    %dma_wait3A_391 = arith.constant 0 : i32
    %dma_wait3A_392 = tpu.memref_slice %arg4[%select_n3A_229, %dma_wait3A_379, %select_n3A_245, %dma_wait3A_390, %dma_wait3A_391] : memref<6x8x128x8x128xf32, #tpu.memory_space<hbm>> -> memref<1x1x1x8x128xf32, #tpu.memory_space<hbm>>
    %dma_wait3A_393 = tpu.memref_squeeze %dma_wait3A_392 : memref<1x1x1x8x128xf32, #tpu.memory_space<hbm>> -> memref<8x128xf32, #tpu.memory_space<hbm>>
    %dma_wait3A_394 = arith.constant 56 : i32
    %dma_wait3A_395 = arith.constant 0 : i32
    %dma_wait3A_396 = tpu.memref_slice %arg8[%rem3A_203, %dma_wait3A_394, %dma_wait3A_395] : memref<2x64x128xf32, #tpu.memory_space<vmem>> -> memref<1x8x128xf32, #tpu.memory_space<vmem>>
    %dma_wait3A_397 = tpu.memref_squeeze %dma_wait3A_396 : memref<1x8x128xf32, #tpu.memory_space<vmem>> -> memref<8x128xf32, #tpu.memory_space<vmem>>
    tpu.wait_dma2 semaphore(%dma_wait3A_389 : memref<!tpu.dma_semaphore, #tpu.memory_space<semaphore_mem>>) src(%dma_wait3A_397 : memref<8x128xf32, #tpu.memory_space<vmem>>) dst(%dma_wait3A_393 : memref<8x128xf32, #tpu.memory_space<hbm>>)
    return
  }
}

</mosaic_0001>

<sc_bundles>
// kernel: _embed.3.cloned.1.call-start
scs
__scs_entry_jumppad:
0x0: {  	(pc) =	sbr.rel $0x88, $3  }
0x1: {  	(tag) =	ssettag $0x0;
	lr =	simm.s32 $0x1  }
0x2: {  	[smem:$0x3F9F] =	sst lr;
	_ =	strace $0xD0000000  }
0x3: {  	_ = 	snop  }
0x4: {  	_ = 	snop  }
0x5: {  	_ = 	snop  }
0x6: {  	_ = 	snop  }
0x7: {  	_ = 	snop  }
__scs_overlays_trampoline_lowered:
0x8: {  	[smem:$0x3FAE] =	sst s0  }
0x9: {  	[smem:$0x3FAF] =	sst s1  }
0xa: {  	[smem:$0x3FB0] =	sst s2  }
0xb: {  	[smem:$0x3FB1] =	sst s3  }
0xc: {  	[smem:$0x3FB2] =	sst s4  }
0xd: {  	[smem:$0x3FB3] =	sst s5  }
0xe: {  	[smem:$0x3FB4] =	sst s6  }
0xf: {  	[smem:$0x3FB5] =	sst s7  }
0x10: {  	[smem:$0x3FB6] =	sst s8  }
0x11: {  	[smem:$0x3FB7] =	sst s9;
	s0 =	simm.s32 @!p0 $0x0  }
0x12: {  	s1 =	sld [smem:$0x3F9D];
	s0 =	simm.s32 @p0 $0x1  }
0x13: {  	[smem:$0x3FB8] =	sst s0;
	s0 =	simm.s32 @!p1 $0x0  }
0x14: {  	s2 =	sld [smem:$0x3F9C];
	s0 =	simm.s32 @p1 $0x1  }
0x15: {  	[smem:$0x3FB9] =	sst s0;
	s0 =	simm.s32 @!p2 $0x0  }
0x16: {  	s3 =	sld [smem:$0x3FDB];
	s0 =	simm.s32 @p2 $0x1  }
0x17: {  	s4 =	simm.s32 $0x1BF5;
	[smem:$0x3FBB] =	sst s0  }
0x18: {  	s0 =	sld [smem:$0x3F9E];
	_ =	swait.ge [sflag:s4], $0x0  }
0x19: {  	s7 =	sld [smem:$0x3F9F]  }
0x1a: {  	s8 =	sadd.s32 $0xFFFFE003, lr  }
0x1b: {  	s9 =	sadd.s32 $0xFFFFFEF7, lr;
	s5 =	simm.s32 $0xFFFFFFFF;
	p2 =	slt.u32 s8, $0xFFFFF086  }
0x1c: {  	p1 =	slt.u32 s9, $0xF7A;
	s5 =	simm.s32 @!p2 $0x0  }
0x1d: {  	s5 =	simm.s32 @p1 $0x1;
	p0 =	seq.s32 s7, s2  }
0x1e: {  	s7 =	smul.u32 @!p0 $0xF7A, s2;
	p2 =	seq.s32 @!p0 s5, $0x0  }
0x1f: {  	s9 =	smul.u32 $0xF7A, s1;
	s8 =	simm.s32 @!p0 $0x1BF5;
	p2 =	por !p2, p0  }
0x20: {  	[sflag:s8] =	ssyncset.s32 @!p0 $0xFFFFF086;
	s6 =	sadd.s32 @!p0 s3, s7;
	s7 =	simm.s32 @!p0 $0x108  }
0x21: {  	s3 =	sadd.s32 s3, s9;
	s6 =	sadd.s32 @!p0 $0x88, s6;
	s7 =	simm.s32 @p2 $0x1082  }
0x22: {  	[simem:s7], [sflag:s8] =	dma.local @!p0 [hbm:s6], $0xF7A  }
0x23: {  	s9 =	sor.u32 $0xD0000000, s2;
	s6 =	simm.s32 $0x108;
	_ =	swait.ge @!p0 [sflag:s8], $0x0  }
0x24: {  	s3 =	sadd.s32 $0x88, s3;
	s6 =	simm.s32 @!p1 $0x1082;
	[sflag:s4] =	ssyncset.s32 $0xFFFFF086  }
0x25: {  	[simem:s6], [sflag:s4] =	dma.local [hbm:s3], $0xF7A  }
0x26: {  	[smem:$0x3F9F] =	sst s1;
	(tag) =	ssettag s2;
	_ =	strace s9  }
0x27: {  	s1 =	sld [smem:$0x3FAF]  }
0x28: {  	s2 =	sld [smem:$0x3FB0]  }
0x29: {  	s4 =	sld [smem:$0x3FB2]  }
0x2a: {  	p0 =	seq.s32 s5, $0x0;
	s5 =	sld [smem:$0x3FB3]  }
0x2b: {  	s6 =	sld [smem:$0x3FB4]  }
0x2c: {  	s7 =	sld [smem:$0x3FB5]  }
0x2d: {  	s3 =	simm.s32 $0x108;
	s8 =	sld [smem:$0x3FB6]  }
0x2e: {  	s3 =	simm.s32 @!p0 $0x1082;
	s9 =	sld [smem:$0x3FB7]  }
0x2f: {  	lr =	sadd.s32 s0, s3;
	s0 =	sld [smem:$0x3FAE]  }
0x30: {  	s3 =	sld [smem:$0x3FB1]  }
0x31: {  	[smem:$0x3FBA] =	sst s10  }
0x32: {  	s10 =	sld [smem:$0x3FB8];
	_ =	sdelay $0x3  }
0x33: {  	p0 =	seq.s32 s10, $0x1;
	s10 =	sld [smem:$0x3FBA];
	_ =	sdelay $0x3  }
0x34: {  	[smem:$0x3FBA] =	sst s10  }
0x35: {  	s10 =	sld [smem:$0x3FB9];
	_ =	sdelay $0x3  }
0x36: {  	p1 =	seq.s32 s10, $0x1;
	s10 =	sld [smem:$0x3FBA];
	_ =	sdelay $0x3  }
0x37: {  	[smem:$0x3FBA] =	sst s10  }
0x38: {  	s10 =	sld [smem:$0x3FBB]  }
0x39: {  	_ = 	snop;
	(pc) =	sbr.ind lr, $3  }
0x3a: {  	_ = 	snop  }
0x3b: {  	_ = 	snop  }
0x3c: {  	p2 =	seq.s32 s10, $0x1;
	s10 =	sld [smem:$0x3FBA]  }
0x3d: {  	_ =	shalt  }
0x3e: {  	_ =	shalt  }
0x3f: {  	_ =	shalt  }
0x40: {  	_ =	shalt  }
0x41: {  	_ =	shalt  }
0x42: {  	_ =	shalt  }
0x43: {  	_ =	shalt  }
0x44: {  	_ =	shalt  }
0x45: {  	_ =	shalt  }
0x46: {  	_ =	shalt  }
0x47: {  	_ =	shalt  }
0x48: {  	_ =	shalt  }
0x49: {  	_ =	shalt  }
0x4a: {  	_ =	shalt  }
0x4b: {  	_ =	shalt  }
0x4c: {  	_ =	shalt  }
0x4d: {  	_ =	shalt  }
0x4e: {  	_ =	shalt  }
0x4f: {  	_ =	shalt  }
0x50: {  	_ =	shalt  }
0x51: {  	_ =	shalt  }
0x52: {  	_ =	shalt  }
0x53: {  	_ =	shalt  }
0x54: {  	_ =	shalt  }
0x55: {  	_ =	shalt  }
0x56: {  	_ =	shalt  }
0x57: {  	_ =	shalt  }
0x58: {  	_ =	shalt  }
0x59: {  	_ =	shalt  }
0x5a: {  	_ =	shalt  }
0x5b: {  	_ =	shalt  }
0x5c: {  	_ =	shalt  }
0x5d: {  	_ =	shalt  }
0x5e: {  	_ =	shalt  }
0x5f: {  	_ =	shalt  }
0x60: {  	_ =	shalt  }
0x61: {  	_ =	shalt  }
0x62: {  	_ =	shalt  }
0x63: {  	_ =	shalt  }
0x64: {  	_ =	shalt  }
0x65: {  	_ =	shalt  }
0x66: {  	_ =	shalt  }
0x67: {  	_ =	shalt  }
0x68: {  	_ =	shalt  }
0x69: {  	_ =	shalt  }
0x6a: {  	_ =	shalt  }
0x6b: {  	_ =	shalt  }
0x6c: {  	_ =	shalt  }
0x6d: {  	_ =	shalt  }
0x6e: {  	_ =	shalt  }
0x6f: {  	_ =	shalt  }
0x70: {  	_ =	shalt  }
0x71: {  	_ =	shalt  }
0x72: {  	_ =	shalt  }
0x73: {  	_ =	shalt  }
0x74: {  	_ =	shalt  }
0x75: {  	_ =	shalt  }
0x76: {  	_ =	shalt  }
0x77: {  	_ =	shalt  }
0x78: {  	_ =	shalt  }
0x79: {  	_ =	shalt  }
0x7a: {  	_ =	shalt  }
0x7b: {  	_ =	shalt  }
0x7c: {  	_ =	shalt  }
0x7d: {  	_ =	shalt  }
0x7e: {  	_ =	shalt  }
0x7f: {  	_ =	shalt  }
0x80: {  	_ =	shalt  }
0x81: {  	_ =	shalt  }
0x82: {  	_ =	shalt  }
0x83: {  	_ =	shalt  }
0x84: {  	_ =	shalt  }
0x85: {  	_ =	shalt  }
0x86: {  	_ =	shalt  }
0x87: {  	_ =	shalt  }
.Lfunc_end0:
.L_simem_size_0:
called_computation_lowered:
.L_overlay_start_0:
0x88: {  	s2 =	sld [smem:$0x3FD9]  }
0x89: {  	s3 =	sld [smem:$0x3FFE];
	_ =	sdelay $0x1  }
0x8a: {  	s1 =	srdreg.scid  }
0x8b: {  	s0 =	sand.u32 $0x1, s1  }
0x8c: {  	s17 =	sshll.u32 s0, $0xA;
	s2 =	sadd.s32 s3, s2  }
0x8d: {  	s2 =	sadd.s32 s2, s17  }
0x8e: {  	[smem:$0x3FC6] =	sst s2  }
0x8f: {  	_ = 	snop  }
0x90: {  	s2 =	sld [smem:$0x3FC9]  }
0x91: {  	s18 =	sld [smem:$0x3FD0];
	(tm) =	ssettm $0x1  }
0x92: {  	s4 =	sld [smem:$0x3FFB];
	_ =	sdelay $0x3  }
0x93: {  	_ =	strace s4  }
0x94: {  	s4 =	sld [smem:$0x3FFC];
	_ =	sdelay $0x3  }
0x95: {  	_ =	strace s4  }
0x96: {  	s4 =	sld [smem:$0x3FFD];
	_ =	sdelay $0x3  }
0x97: {  	_ =	strace s4  }
0x98: {  	_ =	strace $0x8FFFFFFF  }
0x99: {  	s19 =	sld [smem:$0x3FDB];
	_ =	sdelay $0x1  }
0x9a: {  	s5 =	simm.s32 $_scs_section_size  }
0x9b: {  	s6 =	simm.s32 $_size__tile_overlayer_lowered;
	s7 =	simm.s32 $_tile_overlayer_lowered  }
0x9c: {  	s22 =	simm.s32 $0x1BFF;
	s21 =	sshll.u32 s7, $0x1;
	s4 =	sadd.s32 s5, s19  }
0x9d: {  	s8 =	simm.s32 $0x0;
	s20 =	sshll.u32 s6, $0x1;
	s6 =	sadd.s32 s21, s4  }
0x9e: {  	[timem:s8], [sflag:s22] =	dma.local [hbm:s6], s20  }
0x9f: {  	_ =	swait.ge [sflag:s22], s20  }
0xa0: {  	s5 =	ssub.s32 $0x0, s20;
	[sflag:s22] =	ssyncset.done $0x0  }
0xa1: {  	[sflag:s22] =	ssyncadd.s32 s5;
	_ =	sdelay $0x1  }
0xa2: {  	s23 =	simm.s32 $0x1B8B  }
0xa3: {  	_ =	swait.ge [sflag:s23], $0x1  }
0xa4: {  	[sflag:s23] =	ssyncset.done $0x0  }
0xa5: {  	s25 =	simm.s32 $0x1B8E;
	s24 =	sld [smem:$0x3FFE];
	[sflag:s23] =	ssyncadd.s32 $0xFFFFFFFF  }
0xa6: {  	s26 =	simm.s32 $execute0_lowered;
	[smem:$0x3FD2] =	sst s25  }
0xa7: {  	s6 =	sshll.u32 s26, $0x1;
	_ =	strace $0x80000046;
	[dreg:$0x1] =	wrdreg $0xFFFFFFFF  }
0xa8: {  	s28 =	simm.s32 $_size_execute0_lowered;
	s4 =	sadd.s32 s4, s6;
	[dreg:$0x0] =	wrdreg $0x0  }
0xa9: {  	s6 =	sshll.u32 s28, $0x1;
	[dreg:$0x2] =	wrdreg s4  }
0xaa: {  	[dreg:$0x3] =	wrdreg s6  }
0xab: {  	[dreg:$0x4] =	wrdreg $0xC0  }
0xac: {  	_ =	task [dreg:s8], $0x5FFFF  }
0xad: {  	[dreg:$0x1] =	wrdreg $0xFFFFFFFF  }
0xae: {  	[dreg:$0x0] =	wrdreg $0x60  }
0xaf: {  	[dreg:$0x2] =	wrdreg s2  }
0xb0: {  	[dreg:$0x3] =	wrdreg s24  }
0xb1: {  	[dreg:$0x4] =	wrdreg s18  }
0xb2: {  	[dreg:$0x5] =	wrdreg $0x9  }
0xb3: {  	_ =	task.clear_ibuf [dreg:s8], $0x6FFFF;
	_ =	strace $0x90000046  }
0xb4: {  	s29 =	simm.s32 $0x9;
	_ =	strace $0x80000048  }
0xb5: {  	_ =	swait.ge [sflag:s29], $0x1  }
0xb6: {  	[sflag:s29] =	ssyncadd.s32 $0xFFFFFFFF  }
0xb7: {  	_ =	strace $0x90000048  }
0xb8: {  	_ =	sfence  }
0xb9: {  	s30 =	sld [smem:$0x0];
	_ =	sdelay $0x2  }
0xba: {  	s31 =	sshll.u32 s1, $0xD;
	s1 =	sshrl.u32 s1, $0x2  }
0xbb: {  	s3 =	sand.u32 $0x4000, s31;
	s1 =	sadd.s32 s1, s30  }
0xbc: {  	s0 =	sor.u32 s3, s0;
	s1 =	sshll.u32 s1, $0x11  }
0xbd: {  	s0 =	sor.u32 s1, s0  }
0xbe: {  	s0 =	sadd.s32 $0x8F2B, s0  }
0xbf: {  	[sflag:s0] =	ssyncadd.remote.s32 $0x1  }
0xc0: {  	_ =	sfence.sel $0xFFFF  }
0xc1: {  	[dreg:$0x0] =	wrdreg $0xFFFFFFFF;
	(pc) =	sbr.abs _section_cstart, $3  }
0xc2: {  	[dreg:$0x1] =	wrdreg $0xFFFFFFFF  }
0xc3: {  	_ =	task.clear_ibuf [dreg:s8], $0x2FFFF;
	_ =	strace $0x9FFFFFFF  }
0xc4: {  	(tm) =	ssettm $0x7FFFFFFF  }
0xc5: {  	_ =	shalt  }
tec
execute0_lowered:
.L_overlay_start_1:
0x0: {  	(tag) =	ssettag $0x1  }
0x1: {  	s0 =	rddreg [dreg:$0x0]  }
0x2: {  	s1 =	rddreg [dreg:$0x1];
	s3 =	srdreg.scid  }
0x3: {  	s5 =	stileid.u32;
	s2 =	rddreg [dreg:$0x2]  }
0x4: {  	s16 =	simm.s32 $0x4;
	s17 =	simm.s32 $0x5700;
	s18 =	simm.s32 $0x3  }
0x5: {  	s19 =	simm.s32 $0x1;
	s20 =	simm.s32 $0x2;
	s21 =	simm.s32 $0x0  }
0x6: {  	s4 =	sand.u32 $0x1, s3;
	s5 =	sshll.u32 s5, $0x1;
	s3 =	simm.s32 $0x0  }
0x7: {  	s1 =	sadd.s32 $0x400, s1;
	s7 =	sadd.s32 $0x4000, s2;
	s8 =	sadd.s32 $0x8000, s2  }
0x8: {  	s9 =	sadd.s32 $0xC000, s2;
	s10 =	sadd.s32 $0x10000, s2;
	s5 =	sor.u32 s4, s5  }
0x9: {  	[smem:$0x7FF] =	sst s3;
	s4 =	ssub.s32 $0x2, s4;
	s6 =	smul.u32 $0x180, s5  }
0xa: {  	s11 =	sadd.s32 $0x14000, s2;
	_ =	strace $0x80000047;
	s30 =	sshrl.u32 s4, $0x1  }
0xb: {  	[dreg:$0x4] =	wrdreg s1;
	s1 =	ssub.s32 s4, s30;
	s0 =	sadd.s32 s0, s6  }
0xc: {  	v0 =	vlaneseq.u32;
	s12 =	sadd.s32 $0x18000, s2;
	s31 =	smax.u32 s1, $0x1;
	[dreg:$0x5] =	wrdreg s0  }
0xd: {  	s13 =	sadd.s32 $0x1C000, s2;
	v1 =	vor.u32 $0x10, v0;
	v2 =	vor.u32 $0x20, v0;
	v3 =	vor.u32 $0x30, v0;
	s5 =	smul.u32 $0x18, s5;
	[dreg:$0x6] =	wrdreg s31  }
.LBB2_1:
0xe: {  	s0 =	rddreg [dreg:$0x5]  }
0xf: {  	[tilespmem:s3], [sflag:$0x3] =	stream.linear.gather [hbm4b:s0+s3], $0xC00, $0x38;
	[tilespmem:$0xE330] =	vst v63  }
0x10: {  	s31 =	rddreg [dreg:$0x4];
	s1 =	simm.s32 $0xC00  }
0x11: {  	[tilespmem:s1], [sflag:$0x4] =	stream.linear.gather [hbm4b:s31+s3], $0x4B00, $0x38;
	[tilespmem:$0xE330] =	vst v63  }
0x12: {  	_ =	swait.ge [sflag:s16], $0x4B00  }
0x13: {  	[sflag:s16] =	ssyncset.done $0x0  }
0x14: {  	s15 =	simm.s32 $0xC80;
	s22 =	simm.s32 $0xC3;
	[sflag:s16] =	ssyncadd.s32 $0xFFFFB500  }
0x15: {  	s23 =	simm.s32 $0x82;
	v4 =	vadd.s32 s22, v0;
	v5 =	vld [tilespmem:s15+$0x40]  }
0x16: {  	s24 =	simm.s32 $0x41;
	v6 =	vadd.s32 s23, v0;
	v7 =	vld [tilespmem:s15+$0x0]  }
0x17: {  	v8 =	vadd.s32 s24, v0;
	v9 =	vld [tilespmem:s15+$0xFFFFFFC0]  }
0x18: {  	v10 =	vadd.s32 s3, v0;
	v11 =	vld [tilespmem:s15+$0xFFFFFF80];
	_ =	sdelay $0x1  }
0x19: {  	[tilespmem:v4+s17+$0x0] =	vst.idx.msk $0xffff, v5  }
0x1a: {  	[tilespmem:v6+s17+$0x0] =	vst.idx.msk $0xffff, v7;
	v4 =	vadd.s32 s22, v1;
	v5 =	vld [tilespmem:s15+$0x50]  }
0x1b: {  	[tilespmem:v8+s17+$0x0] =	vst.idx.msk $0xffff, v9;
	v6 =	vadd.s32 s23, v1;
	v7 =	vld [tilespmem:s15+$0x10]  }
0x1c: {  	[tilespmem:v10+s17+$0x0] =	vst.idx.msk $0xffff, v11;
	v8 =	vadd.s32 s24, v1;
	v9 =	vld [tilespmem:s15+$0xFFFFFFD0]  }
0x1d: {  	s0 =	simm.s32 $0xD80;
	s1 =	simm.s32 $0x104;
	v10 =	vadd.s32 s3, v1;
	v11 =	vld [tilespmem:s15+$0xFFFFFF90]  }
0x1e: {  	s4 =	simm.s32 $0x145;
	v12 =	vadd.s32 s1, v0;
	v13 =	vld [tilespmem:s0+$0xFFFFFF80]  }
0x1f: {  	v14 =	vadd.s32 s4, v0;
	v15 =	vld [tilespmem:s0+$0xFFFFFFC0];
	[tilespmem:v4+s17+$0x0] =	vst.idx.msk $0xffff, v5  }
0x20: {  	[tilespmem:v6+s17+$0x0] =	vst.idx.msk $0xffff, v7;
	v4 =	vadd.s32 s22, v2;
	v5 =	vld [tilespmem:s15+$0x60]  }
0x21: {  	[tilespmem:v8+s17+$0x0] =	vst.idx.msk $0xffff, v9;
	v6 =	vadd.s32 s23, v2;
	v7 =	vld [tilespmem:s15+$0x20]  }
0x22: {  	[tilespmem:v10+s17+$0x0] =	vst.idx.msk $0xffff, v11;
	v8 =	vadd.s32 s24, v2;
	v9 =	vld [tilespmem:s15+$0xFFFFFFE0]  }
0x23: {  	s6 =	simm.s32 $0x1C7;
	[tilespmem:v12+s17+$0x0] =	vst.idx.msk $0xffff, v13;
	v10 =	vadd.s32 s3, v2;
	v11 =	vld [tilespmem:s15+$0xFFFFFFA0]  }
0x24: {  	s14 =	simm.s32 $0x186;
	[tilespmem:v14+s17+$0x0] =	vst.idx.msk $0xffff, v15;
	v12 =	vadd.s32 s6, v0;
	v13 =	vld [tilespmem:s0+$0x40]  }
0x25: {  	v14 =	vadd.s32 s14, v0;
	v15 =	vld [tilespmem:s0+$0x0];
	[tilespmem:v4+s17+$0x0] =	vst.idx.msk $0xffff, v5  }
0x26: {  	v16 =	vadd.s32 s22, v3;
	[tilespmem:v6+s17+$0x0] =	vst.idx.msk $0xffff, v7;
	v17 =	vld [tilespmem:s15+$0x70]  }
0x27: {  	v18 =	vadd.s32 s23, v3;
	[tilespmem:v8+s17+$0x0] =	vst.idx.msk $0xffff, v9;
	v19 =	vld [tilespmem:s15+$0x30]  }
0x28: {  	v20 =	vadd.s32 s24, v3;
	[tilespmem:v10+s17+$0x0] =	vst.idx.msk $0xffff, v11;
	v21 =	vld [tilespmem:s15+$0xFFFFFFF0]  }
0x29: {  	[tilespmem:v12+s17+$0x0] =	vst.idx.msk $0xffff, v13;
	v5 =	vadd.s32 s3, v3;
	v4 =	vld [tilespmem:s15+$0xFFFFFFB0]  }
0x2a: {  	[tilespmem:v14+s17+$0x0] =	vst.idx.msk $0xffff, v15;
	v6 =	vld [tilespmem:s0+$0x50];
	v8 =	vadd.s32 s6, v1  }
0x2b: {  	v7 =	vld [tilespmem:s0+$0x10];
	v11 =	vadd.s32 s14, v1;
	[tilespmem:v16+s17+$0x0] =	vst.idx.msk $0xffff, v17  }
0x2c: {  	v12 =	vadd.s32 s4, v1;
	v9 =	vld [tilespmem:s0+$0xFFFFFFD0];
	[tilespmem:v18+s17+$0x0] =	vst.idx.msk $0xffff, v19  }
0x2d: {  	v13 =	vld [tilespmem:s0+$0xFFFFFF90];
	s22 =	simm.s32 $0x208;
	s23 =	simm.s32 $0xE80;
	v10 =	vadd.s32 s1, v1;
	s15 =	simm.s32 $0x4;
	[tilespmem:v20+s17+$0x0] =	vst.idx.msk $0xffff, v21  }
.LBB2_2:
0x2e: {  	v14 =	vadd.s32 s22, v0;
	v15 =	vld [tilespmem:s23+$0xFFFFFF80];
	s24 =	sadd.s32 $0x41, s22;
	s15 =	sadd.s32 $0x4, s15;
	[tilespmem:v5+s17+$0x0] =	vst.idx.msk $0xffff, v4  }
0x2f: {  	v4 =	vadd.s32 s24, v0;
	v5 =	vld [tilespmem:s23+$0xFFFFFFC0];
	p0 =	slt.u32 s15, $0x128;
	[tilespmem:v8+s17+$0x0] =	vst.idx.msk $0xffff, v6  }
0x30: {  	v6 =	vadd.s32 s6, v2;
	[tilespmem:v11+s17+$0x0] =	vst.idx.msk $0xffff, v7;
	v7 =	vld [tilespmem:s0+$0x60]  }
0x31: {  	v8 =	vadd.s32 s14, v2;
	[tilespmem:v12+s17+$0x0] =	vst.idx.msk $0xffff, v9;
	v9 =	vld [tilespmem:s0+$0x20]  }
0x32: {  	[tilespmem:v10+s17+$0x0] =	vst.idx.msk $0xffff, v13;
	v10 =	vadd.s32 s4, v2;
	v11 =	vld [tilespmem:s0+$0xFFFFFFE0]  }
0x33: {  	s25 =	sadd.s32 $0xC3, s22;
	v12 =	vadd.s32 s1, v2;
	[tilespmem:v14+s17+$0x0] =	vst.idx.msk $0xffff, v15;
	v13 =	vld [tilespmem:s0+$0xFFFFFFA0]  }
0x34: {  	s26 =	sadd.s32 $0x82, s22;
	[tilespmem:v4+s17+$0x0] =	vst.idx.msk $0xffff, v5;
	v4 =	vadd.s32 s25, v0;
	v5 =	vld [tilespmem:s23+$0x40]  }
0x35: {  	v14 =	vadd.s32 s26, v0;
	v15 =	vld [tilespmem:s23+$0x0];
	[tilespmem:v6+s17+$0x0] =	vst.idx.msk $0xffff, v7  }
0x36: {  	[tilespmem:v8+s17+$0x0] =	vst.idx.msk $0xffff, v9;
	v9 =	vadd.s32 s6, v3;
	v16 =	vld [tilespmem:s0+$0x70];
	s6 =	smov.u32 s25  }
0x37: {  	[tilespmem:v10+s17+$0x0] =	vst.idx.msk $0xffff, v11;
	v10 =	vadd.s32 s14, v3;
	v17 =	vld [tilespmem:s0+$0x30];
	s14 =	smov.u32 s26  }
0x38: {  	v18 =	vadd.s32 s4, v3;
	s4 =	smov.u32 s24;
	[tilespmem:v12+s17+$0x0] =	vst.idx.msk $0xffff, v13;
	v19 =	vld [tilespmem:s0+$0xFFFFFFF0]  }
.Ltmp0:
0x39: {  	[tilespmem:v4+s17+$0x0] =	vst.idx.msk $0xffff, v5;
	v5 =	vadd.s32 s1, v3;
	v4 =	vld [tilespmem:s0+$0xFFFFFFB0];
	s1 =	smov.u32 s22;
	s0 =	smov.u32 s23;
	(pc) =	sbr.rel @p0 .LBB2_2-.Ltmp0, $4  }
0x3a: {  	v8 =	vadd.s32 s6, v1;
	[tilespmem:v14+s17+$0x0] =	vst.idx.msk $0xffff, v15;
	v6 =	vld [tilespmem:s23+$0x50]  }
0x3b: {  	v11 =	vadd.s32 s14, v1;
	v7 =	vld [tilespmem:s23+$0x10];
	[tilespmem:v9+s17+$0x0] =	vst.idx.msk $0xffff, v16  }
0x3c: {  	v12 =	vadd.s32 s4, v1;
	v9 =	vld [tilespmem:s23+$0xFFFFFFD0];
	[tilespmem:v10+s17+$0x0] =	vst.idx.msk $0xffff, v17  }
0x3d: {  	s22 =	sadd.s32 $0x104, s22;
	v10 =	vadd.s32 s1, v1;
	s23 =	sadd.s32 $0x100, s23;
	v13 =	vld [tilespmem:s0+$0xFFFFFF90];
	[tilespmem:v18+s17+$0x0] =	vst.idx.msk $0xffff, v19  }
0x3e: {  	_ =	sdelay $0x3  }
0x3f: {  	[tilespmem:v8+s17+$0x0] =	vst.idx.msk $0xffff, v6  }
0x40: {  	v53 =	vadd.s32 s6, v2;
	[tilespmem:v11+s17+$0x0] =	vst.idx.msk $0xffff, v7;
	v54 =	vld [tilespmem:s0+$0x60]  }
0x41: {  	v55 =	vadd.s32 s14, v2;
	[tilespmem:v12+s17+$0x0] =	vst.idx.msk $0xffff, v9;
	v56 =	vld [tilespmem:s0+$0x20]  }
0x42: {  	v57 =	vadd.s32 s4, v2;
	[tilespmem:v10+s17+$0x0] =	vst.idx.msk $0xffff, v13;
	v58 =	vld [tilespmem:s0+$0xFFFFFFE0]  }
0x43: {  	v59 =	vadd.s32 s1, v2;
	v13 =	vld [tilespmem:s0+$0xFFFFFFA0];
	_ =	sdelay $0x1  }
0x44: {  	[tilespmem:v53+s17+$0x0] =	vst.idx.msk $0xffff, v54  }
0x45: {  	v60 =	vadd.s32 s6, v3;
	[tilespmem:v55+s17+$0x0] =	vst.idx.msk $0xffff, v56;
	v7 =	vld [tilespmem:s0+$0x70]  }
0x46: {  	v61 =	vadd.s32 s14, v3;
	[tilespmem:v57+s17+$0x0] =	vst.idx.msk $0xffff, v58;
	v9 =	vld [tilespmem:s0+$0x30]  }
0x47: {  	v62 =	vadd.s32 s4, v3;
	[tilespmem:v59+s17+$0x0] =	vst.idx.msk $0xffff, v13;
	v11 =	vld [tilespmem:s0+$0xFFFFFFF0]  }
0x48: {  	v63 =	vadd.s32 s1, v3;
	v13 =	vld [tilespmem:s0+$0xFFFFFFB0]  }
0x49: {  	[tilespmem:v5+s17+$0x0] =	vst.idx.msk $0xffff, v4  }
0x4a: {  	[tilespmem:v60+s17+$0x0] =	vst.idx.msk $0xffff, v7  }
0x4b: {  	[tilespmem:v61+s17+$0x0] =	vst.idx.msk $0xffff, v9  }
0x4c: {  	[tilespmem:v62+s17+$0x0] =	vst.idx.msk $0xffff, v11  }
0x4d: {  	[tilespmem:v63+s17+$0x0] =	vst.idx.msk $0xffff, v13  }
0x4e: {  	_ =	swait.ge [sflag:s18], $0xC00  }
0x4f: {  	s22 =	simm.s32 $0x0;
	[sflag:s18] =	ssyncset.done $0x0  }
0x50: {  	p0 =	por $0x0, $0x0;
	s23 =	simm.s32 $0x0;
	[sflag:s18] =	ssyncadd.s32 $0xFFFFF400  }
.LBB2_4:
0x51: {  	s0 =	sshll.u32 s23, $0x7  }
0x52: {  	s0 =	sand.u32 $0x3FFFFF80, s0  }
0x53: {  	v7 =	vld [tilespmem:s0+$0x0]  }
0x54: {  	v8 =	vld [tilespmem:s0+$0x10]  }
0x55: {  	v9 =	vld [tilespmem:s0+$0x20]  }
0x56: {  	v12 =	vld [tilespmem:s0+$0x30]  }
0x57: {  	v13 =	vld [tilespmem:s0+$0x40]  }
0x58: {  	v5 =	vld [tilespmem:s0+$0x50]  }
0x59: {  	s24 =	sand.u32 $0x1, s23;
	p1 =	slt.u32 s23, $0x2;
	v4 =	vld [tilespmem:s0+$0x60]  }
0x5a: {  	v6 =	vld [tilespmem:s0+$0x70];
	s0 =	sadd.s32 @!p1 $0x1, s24  }
0x5b: {  	_ =	swait.ge @!p1 [sflag:s0], $0x400  }
0x5c: {  	[sflag:s0] =	ssyncset.done @!p1 $0x0  }
0x5d: {  	[sflag:s0] =	ssyncadd.s32 @!p1 $0xFFFFFC00  }
0x5e: {  	_ =	swait.ge @!p1 [sflag:s0], $0x400  }
0x5f: {  	[sflag:s0] =	ssyncset.done @!p1 $0x0  }
0x60: {  	[sflag:s0] =	ssyncadd.s32 @!p1 $0xFFFFFC00  }
0x61: {  	_ =	swait.ge @!p1 [sflag:s0], $0x400  }
0x62: {  	[sflag:s0] =	ssyncset.done @!p1 $0x0  }
0x63: {  	[sflag:s0] =	ssyncadd.s32 @!p1 $0xFFFFFC00  }
0x64: {  	_ =	swait.ge @!p1 [sflag:s0], $0x400  }
0x65: {  	[sflag:s0] =	ssyncset.done @!p1 $0x0  }
0x66: {  	[sflag:s0] =	ssyncadd.s32 @!p1 $0xFFFFFC00  }
0x67: {  	_ =	swait.ge @!p1 [sflag:s0], $0x400  }
0x68: {  	[sflag:s0] =	ssyncset.done @!p1 $0x0  }
0x69: {  	[sflag:s0] =	ssyncadd.s32 @!p1 $0xFFFFFC00  }
0x6a: {  	_ =	swait.ge @!p1 [sflag:s0], $0x400  }
0x6b: {  	[sflag:s0] =	ssyncset.done @!p1 $0x0  }
0x6c: {  	v11 =	vmul.u32 $0x41, v7;
	[sflag:s0] =	ssyncadd.s32 @!p1 $0xFFFFFC00  }
0x6d: {  	_ =	swait.ge @!p1 [sflag:s0], $0x400  }
0x6e: {  	s25 =	simm.s32 $0x7;
	v7 =	vadd.s32 s22, v11;
	[sflag:s0] =	ssyncset.done @!p1 $0x0  }
0x6f: {  	s14 =	simm.s32 $0x1;
	v14 =	vadd.s32 s25, v11;
	[sflag:s0] =	ssyncadd.s32 @!p1 $0xFFFFFC00  }
0x70: {  	s15 =	simm.s32 $0x2;
	v15 =	vadd.s32 s14, v11;
	_ =	swait.ge @!p1 [sflag:s0], $0x400  }
0x71: {  	s1 =	simm.s32 $0x3;
	v16 =	vadd.s32 s15, v11;
	[sflag:s0] =	ssyncset.done @!p1 $0x0  }
0x72: {  	s6 =	simm.s32 $0x5;
	v17 =	vadd.s32 s1, v11;
	[sflag:s0] =	ssyncadd.s32 @!p1 $0xFFFFFC00  }
0x73: {  	s4 =	simm.s32 $0x6;
	v10 =	vmul.u32 $0x41, v8;
	v8 =	vadd.s32 s6, v11;
	v7 =	vld.idx.msk [tilespmem:v7+s17+$0x0], $0xffff  }
0x74: {  	v19 =	vadd.s32 s4, v11;
	s0 =	simm.s32 $0x4;
	v14 =	vld.idx.msk [tilespmem:v14+s17+$0x0], $0xffff  }
0x75: {  	s26 =	simm.s32 $0x1;
	v18 =	vadd.s32 s0, v11;
	v15 =	vld.idx.msk [tilespmem:v15+s17+$0x0], $0xffff  }
0x76: {  	s26 =	simm.s32 @!p0 $0x0;
	v20 =	vadd.s32 s25, v10;
	v16 =	vld.idx.msk [tilespmem:v16+s17+$0x0], $0xffff  }
0x77: {  	s26 =	sshll.u32 s26, $0xD;
	v21 =	vadd.s32 s14, v10;
	v17 =	vld.idx.msk [tilespmem:v17+s17+$0x0], $0xffff  }
0x78: {  	s29 =	sadd.s32 $0xA530, s26;
	v22 =	vadd.s32 s15, v10;
	v8 =	vld.idx.msk [tilespmem:v8+s17+$0x0], $0xffff  }
0x79: {  	v23 =	vadd.s32 s1, v10;
	v19 =	vld.idx.msk [tilespmem:v19+s17+$0x0], $0xffff;
	[tilespmem:s29+$0x180] =	vst v14  }
0x7a: {  	v18 =	vld.idx.msk [tilespmem:v18+s17+$0x0], $0xffff;
	[tilespmem:s29+$0xFFFFFE80] =	vst v15;
	v14 =	vadd.s32 s6, v10  }
0x7b: {  	[tilespmem:s29+$0xFFFFFF00] =	vst v16;
	v16 =	vadd.s32 s4, v10;
	v15 =	vld.idx.msk [tilespmem:v20+s17+$0x0], $0xffff  }
0x7c: {  	v9 =	vmul.u32 $0x41, v9;
	v24 =	vadd.s32 s0, v10;
	[tilespmem:s29+$0xFFFFFF80] =	vst v17;
	v20 =	vld.idx.msk [tilespmem:v21+s17+$0x0], $0xffff  }
0x7d: {  	[tilespmem:s29+$0x80] =	vst v8;
	v21 =	vld.idx.msk [tilespmem:v22+s17+$0x0], $0xffff;
	v22 =	vadd.s32 s22, v10  }
0x7e: {  	v17 =	vadd.s32 s25, v9;
	[tilespmem:s29+$0x100] =	vst v19;
	v23 =	vld.idx.msk [tilespmem:v23+s17+$0x0], $0xffff  }
0x7f: {  	v25 =	vadd.s32 s15, v9;
	[tilespmem:s29+$0xFFFFFE00] =	vst v7;
	v14 =	vld.idx.msk [tilespmem:v14+s17+$0x0], $0xffff  }
0x80: {  	v19 =	vadd.s32 s1, v9;
	[tilespmem:s29+$0x0] =	vst v18;
	v16 =	vld.idx.msk [tilespmem:v16+s17+$0x0], $0xffff  }
0x81: {  	v18 =	vadd.s32 s14, v9;
	v24 =	vld.idx.msk [tilespmem:v24+s17+$0x0], $0xffff;
	[tilespmem:s29+$0x190] =	vst v15  }
0x82: {  	v15 =	vld.idx.msk [tilespmem:v22+s17+$0x0], $0xffff;
	[tilespmem:s29+$0xFFFFFE90] =	vst v20;
	v22 =	vadd.s32 s4, v9  }
0x83: {  	v8 =	vmul.u32 $0x41, v12;
	v7 =	vadd.s32 s0, v9;
	[tilespmem:s29+$0xFFFFFF10] =	vst v21;
	v12 =	vld.idx.msk [tilespmem:v17+s17+$0x0], $0xffff  }
0x84: {  	[tilespmem:s29+$0xFFFFFF90] =	vst v23;
	v17 =	vadd.s32 s6, v9;
	v21 =	vld.idx.msk [tilespmem:v25+s17+$0x0], $0xffff  }
0x85: {  	v20 =	vadd.s32 s25, v8;
	v19 =	vld.idx.msk [tilespmem:v19+s17+$0x0], $0xffff;
	[tilespmem:s29+$0x90] =	vst v14  }
0x86: {  	v23 =	vadd.s32 s22, v9;
	v18 =	vld.idx.msk [tilespmem:v18+s17+$0x0], $0xffff;
	[tilespmem:s29+$0x110] =	vst v16  }
0x87: {  	v14 =	vadd.s32 s15, v8;
	[tilespmem:s29+$0x10] =	vst v24;
	v16 =	vld.idx.msk [tilespmem:v22+s17+$0x0], $0xffff  }
0x88: {  	v57 =	vadd.s32 s14, v8;
	[tilespmem:s29+$0xFFFFFE10] =	vst v15;
	v58 =	vld.idx.msk [tilespmem:v7+s17+$0x0], $0xffff  }
0x89: {  	v17 =	vld.idx.msk [tilespmem:v17+s17+$0x0], $0xffff;
	[tilespmem:s29+$0x1A0] =	vst v12;
	v12 =	vadd.s32 s1, v8  }
0x8a: {  	v15 =	vadd.s32 s0, v8;
	v7 =	vmul.u32 $0x41, v13;
	[tilespmem:s29+$0xFFFFFF20] =	vst v21;
	v13 =	vld.idx.msk [tilespmem:v20+s17+$0x0], $0xffff  }
0x8b: {  	v21 =	vadd.s32 s6, v8;
	[tilespmem:s29+$0xFFFFFFA0] =	vst v19;
	v20 =	vld.idx.msk [tilespmem:v23+s17+$0x0], $0xffff  }
0x8c: {  	[tilespmem:s29+$0xFFFFFEA0] =	vst v18;
	v18 =	vadd.s32 s25, v7;
	v14 =	vld.idx.msk [tilespmem:v14+s17+$0x0], $0xffff  }
0x8d: {  	v19 =	vadd.s32 s4, v8;
	v22 =	vld.idx.msk [tilespmem:v57+s17+$0x0], $0xffff;
	[tilespmem:s29+$0x120] =	vst v16  }
0x8e: {  	v23 =	vadd.s32 s22, v8;
	v12 =	vld.idx.msk [tilespmem:v12+s17+$0x0], $0xffff;
	[tilespmem:s29+$0x20] =	vst v58  }
0x8f: {  	v59 =	vadd.s32 s14, v7;
	[tilespmem:s29+$0xA0] =	vst v17;
	v15 =	vld.idx.msk [tilespmem:v15+s17+$0x0], $0xffff  }
0x90: {  	[tilespmem:s29+$0x1B0] =	vst v13;
	v13 =	vadd.s32 s15, v7;
	v21 =	vld.idx.msk [tilespmem:v21+s17+$0x0], $0xffff  }
0x91: {  	v5 =	vmul.u32 $0x41, v5;
	[tilespmem:s29+$0xFFFFFE20] =	vst v20;
	v17 =	vld.idx.msk [tilespmem:v18+s17+$0x0], $0xffff;
	v18 =	vadd.s32 s1, v7  }
0x92: {  	v16 =	vld.idx.msk [tilespmem:v19+s17+$0x0], $0xffff;
	[tilespmem:s29+$0xFFFFFF30] =	vst v14;
	v14 =	vadd.s32 s6, v7  }
0x93: {  	v19 =	vadd.s32 s25, v5;
	v20 =	vld.idx.msk [tilespmem:v23+s17+$0x0], $0xffff;
	[tilespmem:s29+$0xFFFFFEB0] =	vst v22  }
0x94: {  	v60 =	vadd.s32 s22, v7;
	v23 =	vld.idx.msk [tilespmem:v59+s17+$0x0], $0xffff;
	[tilespmem:s29+$0xFFFFFFB0] =	vst v12  }
0x95: {  	v22 =	vadd.s32 s0, v7;
	v13 =	vld.idx.msk [tilespmem:v13+s17+$0x0], $0xffff;
	[tilespmem:s29+$0x30] =	vst v15  }
0x96: {  	v12 =	vadd.s32 s4, v7;
	[tilespmem:s29+$0xB0] =	vst v21;
	v18 =	vld.idx.msk [tilespmem:v18+s17+$0x0], $0xffff  }
0x97: {  	[tilespmem:s29+$0x1C0] =	vst v17;
	v17 =	vadd.s32 s14, v5;
	v14 =	vld.idx.msk [tilespmem:v14+s17+$0x0], $0xffff  }
0x98: {  	v4 =	vmul.u32 $0x41, v4;
	[tilespmem:s29+$0xFFFFFE30] =	vst v20;
	v15 =	vld.idx.msk [tilespmem:v19+s17+$0x0], $0xffff;
	v19 =	vadd.s32 s15, v5  }
0x99: {  	v20 =	vadd.s32 s1, v5;
	v21 =	vld.idx.msk [tilespmem:v60+s17+$0x0], $0xffff  }
0x9a: {  	[tilespmem:s29+$0x130] =	vst v16;
	v16 =	vadd.s32 s25, v4;
	v22 =	vld.idx.msk [tilespmem:v22+s17+$0x0], $0xffff  }
0x9b: {  	v12 =	vld.idx.msk [tilespmem:v12+s17+$0x0], $0xffff;
	[tilespmem:s29+$0xFFFFFEC0] =	vst v23;
	v23 =	vadd.s32 s0, v5  }
0x9c: {  	[tilespmem:s29+$0xFFFFFF40] =	vst v13;
	v13 =	vadd.s32 s6, v5;
	v17 =	vld.idx.msk [tilespmem:v17+s17+$0x0], $0xffff  }
0x9d: {  	v61 =	vadd.s32 s4, v5;
	[tilespmem:s29+$0xFFFFFFC0] =	vst v18;
	v19 =	vld.idx.msk [tilespmem:v19+s17+$0x0], $0xffff  }
0x9e: {  	[tilespmem:s29+$0x1D0] =	vst v15;
	v15 =	vadd.s32 s22, v5;
	v20 =	vld.idx.msk [tilespmem:v20+s17+$0x0], $0xffff  }
0x9f: {  	v18 =	vadd.s32 s14, v4;
	[tilespmem:s29+$0x40] =	vst v22;
	v16 =	vld.idx.msk [tilespmem:v16+s17+$0x0], $0xffff  }
0xa0: {  	v6 =	vmul.u32 $0x41, v6;
	[tilespmem:s29+$0xC0] =	vst v14;
	v22 =	vld.idx.msk [tilespmem:v23+s17+$0x0], $0xffff;
	v23 =	vadd.s32 s15, v4  }
0xa1: {  	[tilespmem:s29+$0x140] =	vst v12;
	v12 =	vadd.s32 s1, v4;
	v13 =	vld.idx.msk [tilespmem:v13+s17+$0x0], $0xffff  }
0xa2: {  	v14 =	vadd.s32 s25, v6;
	[tilespmem:s29+$0xFFFFFE40] =	vst v21;
	v21 =	vld.idx.msk [tilespmem:v61+s17+$0x0], $0xffff  }
0xa3: {  	[tilespmem:s29+$0xFFFFFED0] =	vst v17;
	v62 =	vld.idx.msk [tilespmem:v15+s17+$0x0], $0xffff;
	v15 =	vadd.s32 s0, v4  }
0xa4: {  	s28 =	simm.s32 $0x8;
	v63 =	vadd.s32 s6, v4;
	v18 =	vld.idx.msk [tilespmem:v18+s17+$0x0], $0xffff;
	[tilespmem:s29+$0xFFFFFF50] =	vst v19  }
0xa5: {  	[tilespmem:s29+$0xFFFFFFD0] =	vst v20;
	v20 =	vadd.s32 s28, v11;
	v27 =	vld.idx.msk [tilespmem:v23+s17+$0x0], $0xffff  }
0xa6: {  	[tilespmem:s29+$0x1E0] =	vst v16;
	v16 =	vadd.s32 s4, v4;
	v28 =	vld.idx.msk [tilespmem:v12+s17+$0x0], $0xffff  }
0xa7: {  	v26 =	vadd.s32 s22, v4;
	[tilespmem:s29+$0x50] =	vst v22;
	v19 =	vld.idx.msk [tilespmem:v14+s17+$0x0], $0xffff  }
0xa8: {  	v29 =	vadd.s32 s14, v6;
	[tilespmem:s29+$0xD0] =	vst v13;
	v17 =	vld.idx.msk [tilespmem:v15+s17+$0x0], $0xffff  }
0xa9: {  	v30 =	vadd.s32 s15, v6;
	[tilespmem:s29+$0x150] =	vst v21;
	v15 =	vld.idx.msk [tilespmem:v63+s17+$0x0], $0xffff  }
0xaa: {  	v23 =	vadd.s32 s1, v6;
	[tilespmem:s29+$0xFFFFFE50] =	vst v62;
	v12 =	vld.idx.msk [tilespmem:v20+s17+$0x0], $0xffff  }
0xab: {  	v22 =	vadd.s32 s0, v6;
	[tilespmem:s29+$0xFFFFFEE0] =	vst v18;
	v14 =	vld.idx.msk [tilespmem:v16+s17+$0x0], $0xffff  }
0xac: {  	v21 =	vadd.s32 s6, v6;
	v13 =	vld.idx.msk [tilespmem:v26+s17+$0x0], $0xffff;
	[tilespmem:s29+$0xFFFFFF60] =	vst v27  }
0xad: {  	s25 =	sshll.u32 s24, $0xD;
	v20 =	vadd.s32 s4, v6;
	v16 =	vld.idx.msk [tilespmem:v29+s17+$0x0], $0xffff;
	[tilespmem:s29+$0xFFFFFFE0] =	vst v28  }
0xae: {  	s30 =	simm.s32 $0xF;
	s31 =	simm.s32 $0x10;
	s26 =	sadd.s32 $0xA330, s25;
	[tilespmem:s29+$0x1F0] =	vst v19;
	v19 =	vadd.s32 s22, v6;
	v18 =	vld.idx.msk [tilespmem:v30+s17+$0x0], $0xffff  }
.LBB2_5:
0xaf: {  	p1 =	slt.u32 s31, $0x38;
	s1 =	sadd.s32 $0x1, s28;
	v24 =	vadd.s32 s30, v11;
	v23 =	vld.idx.msk [tilespmem:v23+s17+$0x0], $0xffff;
	[tilespmem:s29+$0x60] =	vst v17  }
0xb0: {  	s0 =	sadd.s32 $0x2, s28;
	v17 =	vadd.s32 s1, v11;
	v22 =	vld.idx.msk [tilespmem:v22+s17+$0x0], $0xffff;
	[tilespmem:s29+$0xE0] =	vst v15  }
0xb1: {  	s15 =	sadd.s32 $0x3, s28;
	v15 =	vadd.s32 s0, v11;
	v21 =	vld.idx.msk [tilespmem:v21+s17+$0x0], $0xffff;
	[tilespmem:s29+$0x160] =	vst v14  }
0xb2: {  	s4 =	sadd.s32 $0x4, s28;
	v14 =	vadd.s32 s15, v11;
	[tilespmem:s29+$0xFFFFFE60] =	vst v13;
	v13 =	vld.idx.msk [tilespmem:v20+s17+$0x0], $0xffff  }
0xb3: {  	s6 =	sadd.s32 $0x5, s28;
	v20 =	vadd.s32 s4, v11;
	v19 =	vld.idx.msk [tilespmem:v19+s17+$0x0], $0xffff;
	[tilespmem:s29+$0xFFFFFEF0] =	vst v16  }
0xb4: {  	s14 =	sadd.s32 $0x6, s28;
	v16 =	vadd.s32 s6, v11;
	v24 =	vld.idx.msk [tilespmem:v24+s17+$0x0], $0xffff;
	[tilespmem:s29+$0xFFFFFF70] =	vst v18  }
0xb5: {  	v18 =	vadd.s32 s14, v11;
	v17 =	vld.idx.msk [tilespmem:v17+s17+$0x0], $0xffff;
	[tilespmem:s29+$0xFFFFFFF0] =	vst v23  }
0xb6: {  	v23 =	vadd.s32 s30, v10;
	v15 =	vld.idx.msk [tilespmem:v15+s17+$0x0], $0xffff;
	[tilespmem:s29+$0x70] =	vst v22  }
0xb7: {  	v22 =	vadd.s32 s1, v10;
	v14 =	vld.idx.msk [tilespmem:v14+s17+$0x0], $0xffff;
	[tilespmem:s29+$0xF0] =	vst v21  }
0xb8: {  	v21 =	vadd.s32 s0, v10;
	v20 =	vld.idx.msk [tilespmem:v20+s17+$0x0], $0xffff;
	[tilespmem:s29+$0x170] =	vst v13  }
0xb9: {  	v13 =	vadd.s32 s15, v10;
	v16 =	vld.idx.msk [tilespmem:v16+s17+$0x0], $0xffff;
	[tilespmem:s29+$0xFFFFFE70] =	vst v19;
	s29 =	sadd.s32 $0x400, s29  }
0xba: {  	v19 =	vadd.s32 s4, v10;
	v18 =	vld.idx.msk [tilespmem:v18+s17+$0x0], $0xffff;
	[tilespmem:s29+$0x180] =	vst v24  }
0xbb: {  	[tilespmem:s29+$0xFFFFFE80] =	vst v17;
	v17 =	vadd.s32 s6, v10;
	v23 =	vld.idx.msk [tilespmem:v23+s17+$0x0], $0xffff  }
0xbc: {  	v22 =	vld.idx.msk [tilespmem:v22+s17+$0x0], $0xffff;
	[tilespmem:s29+$0xFFFFFF00] =	vst v15;
	v15 =	vadd.s32 s14, v10  }
0xbd: {  	v21 =	vld.idx.msk [tilespmem:v21+s17+$0x0], $0xffff;
	[tilespmem:s29+$0xFFFFFF80] =	vst v14;
	v14 =	vadd.s32 s30, v9  }
0xbe: {  	v24 =	vadd.s32 s28, v10;
	v13 =	vld.idx.msk [tilespmem:v13+s17+$0x0], $0xffff;
	[tilespmem:s29+$0x0] =	vst v20  }
0xbf: {  	v20 =	vadd.s32 s1, v9;
	v19 =	vld.idx.msk [tilespmem:v19+s17+$0x0], $0xffff;
	[tilespmem:s29+$0x80] =	vst v16  }
0xc0: {  	v16 =	vadd.s32 s0, v9;
	v17 =	vld.idx.msk [tilespmem:v17+s17+$0x0], $0xffff;
	[tilespmem:s29+$0x100] =	vst v18  }
0xc1: {  	v18 =	vadd.s32 s15, v9;
	v15 =	vld.idx.msk [tilespmem:v15+s17+$0x0], $0xffff;
	[tilespmem:s29+$0x190] =	vst v23  }
0xc2: {  	[tilespmem:s29+$0xFFFFFE00] =	vst v12;
	v12 =	vadd.s32 s4, v9;
	v14 =	vld.idx.msk [tilespmem:v14+s17+$0x0], $0xffff  }
0xc3: {  	v23 =	vld.idx.msk [tilespmem:v24+s17+$0x0], $0xffff;
	[tilespmem:s29+$0xFFFFFE90] =	vst v22;
	v22 =	vadd.s32 s6, v9  }
0xc4: {  	v20 =	vld.idx.msk [tilespmem:v20+s17+$0x0], $0xffff;
	[tilespmem:s29+$0xFFFFFF10] =	vst v21;
	v21 =	vadd.s32 s30, v8  }
0xc5: {  	v16 =	vld.idx.msk [tilespmem:v16+s17+$0x0], $0xffff;
	[tilespmem:s29+$0xFFFFFF90] =	vst v13;
	v13 =	vadd.s32 s14, v9  }
0xc6: {  	v24 =	vadd.s32 s28, v9;
	v18 =	vld.idx.msk [tilespmem:v18+s17+$0x0], $0xffff;
	[tilespmem:s29+$0x10] =	vst v19  }
0xc7: {  	v19 =	vadd.s32 s1, v8;
	v12 =	vld.idx.msk [tilespmem:v12+s17+$0x0], $0xffff;
	[tilespmem:s29+$0x90] =	vst v17  }
0xc8: {  	v17 =	vadd.s32 s0, v8;
	v22 =	vld.idx.msk [tilespmem:v22+s17+$0x0], $0xffff;
	[tilespmem:s29+$0x1A0] =	vst v14  }
0xc9: {  	v14 =	vadd.s32 s15, v8;
	[tilespmem:s29+$0x110] =	vst v15;
	v15 =	vld.idx.msk [tilespmem:v21+s17+$0x0], $0xffff  }
0xca: {  	v21 =	vadd.s32 s4, v8;
	[tilespmem:s29+$0xFFFFFE10] =	vst v23;
	v13 =	vld.idx.msk [tilespmem:v13+s17+$0x0], $0xffff  }
0xcb: {  	v23 =	vld.idx.msk [tilespmem:v24+s17+$0x0], $0xffff;
	[tilespmem:s29+$0xFFFFFEA0] =	vst v20;
	v20 =	vadd.s32 s30, v7  }
0xcc: {  	v19 =	vld.idx.msk [tilespmem:v19+s17+$0x0], $0xffff;
	[tilespmem:s29+$0xFFFFFF20] =	vst v16;
	v16 =	vadd.s32 s6, v8  }
0xcd: {  	v17 =	vld.idx.msk [tilespmem:v17+s17+$0x0], $0xffff;
	[tilespmem:s29+$0xFFFFFFA0] =	vst v18;
	v18 =	vadd.s32 s14, v8  }
0xce: {  	v24 =	vadd.s32 s28, v8;
	v14 =	vld.idx.msk [tilespmem:v14+s17+$0x0], $0xffff;
	[tilespmem:s29+$0x20] =	vst v12  }
0xcf: {  	v12 =	vadd.s32 s1, v7;
	v21 =	vld.idx.msk [tilespmem:v21+s17+$0x0], $0xffff;
	[tilespmem:s29+$0x1B0] =	vst v15  }
0xd0: {  	v15 =	vadd.s32 s0, v7;
	[tilespmem:s29+$0xA0] =	vst v22;
	v20 =	vld.idx.msk [tilespmem:v20+s17+$0x0], $0xffff  }
0xd1: {  	v22 =	vadd.s32 s15, v7;
	v16 =	vld.idx.msk [tilespmem:v16+s17+$0x0], $0xffff;
	[tilespmem:s29+$0x120] =	vst v13  }
0xd2: {  	[tilespmem:s29+$0xFFFFFE20] =	vst v23;
	v13 =	vld.idx.msk [tilespmem:v18+s17+$0x0], $0xffff;
	v18 =	vadd.s32 s30, v5  }
0xd3: {  	v23 =	vld.idx.msk [tilespmem:v24+s17+$0x0], $0xffff;
	[tilespmem:s29+$0xFFFFFEB0] =	vst v19;
	v19 =	vadd.s32 s4, v7  }
0xd4: {  	v12 =	vld.idx.msk [tilespmem:v12+s17+$0x0], $0xffff;
	[tilespmem:s29+$0xFFFFFF30] =	vst v17;
	v17 =	vadd.s32 s6, v7  }
0xd5: {  	v15 =	vld.idx.msk [tilespmem:v15+s17+$0x0], $0xffff;
	[tilespmem:s29+$0xFFFFFFB0] =	vst v14;
	v14 =	vadd.s32 s14, v7  }
0xd6: {  	v24 =	vadd.s32 s28, v7;
	v22 =	vld.idx.msk [tilespmem:v22+s17+$0x0], $0xffff;
	[tilespmem:s29+$0x1C0] =	vst v20  }
0xd7: {  	v20 =	vadd.s32 s1, v5;
	[tilespmem:s29+$0x30] =	vst v21;
	v18 =	vld.idx.msk [tilespmem:v18+s17+$0x0], $0xffff  }
0xd8: {  	v21 =	vadd.s32 s0, v5;
	v19 =	vld.idx.msk [tilespmem:v19+s17+$0x0], $0xffff;
	[tilespmem:s29+$0xB0] =	vst v16  }
0xd9: {  	v16 =	vld.idx.msk [tilespmem:v17+s17+$0x0], $0xffff;
	[tilespmem:s29+$0x130] =	vst v13;
	v13 =	vadd.s32 s30, v4  }
0xda: {  	v17 =	vadd.s32 s15, v5;
	[tilespmem:s29+$0xFFFFFE30] =	vst v23;
	v14 =	vld.idx.msk [tilespmem:v14+s17+$0x0], $0xffff  }
0xdb: {  	v23 =	vld.idx.msk [tilespmem:v24+s17+$0x0], $0xffff;
	[tilespmem:s29+$0xFFFFFEC0] =	vst v12;
	v12 =	vadd.s32 s4, v5  }
0xdc: {  	v20 =	vld.idx.msk [tilespmem:v20+s17+$0x0], $0xffff;
	[tilespmem:s29+$0xFFFFFF40] =	vst v15;
	v15 =	vadd.s32 s6, v5  }
0xdd: {  	v24 =	vadd.s32 s14, v5;
	v21 =	vld.idx.msk [tilespmem:v21+s17+$0x0], $0xffff;
	[tilespmem:s29+$0x1D0] =	vst v18  }
0xde: {  	v18 =	vadd.s32 s28, v5;
	[tilespmem:s29+$0xFFFFFFC0] =	vst v22;
	v13 =	vld.idx.msk [tilespmem:v13+s17+$0x0], $0xffff  }
0xdf: {  	v22 =	vadd.s32 s1, v4;
	v17 =	vld.idx.msk [tilespmem:v17+s17+$0x0], $0xffff;
	[tilespmem:s29+$0x40] =	vst v19  }
0xe0: {  	v12 =	vld.idx.msk [tilespmem:v12+s17+$0x0], $0xffff;
	[tilespmem:s29+$0xC0] =	vst v16;
	v16 =	vadd.s32 s30, v6  }
0xe1: {  	v19 =	vadd.s32 s0, v4;
	v15 =	vld.idx.msk [tilespmem:v15+s17+$0x0], $0xffff;
	[tilespmem:s29+$0x140] =	vst v14  }
0xe2: {  	v14 =	vadd.s32 s15, v4;
	[tilespmem:s29+$0xFFFFFE40] =	vst v23;
	v23 =	vld.idx.msk [tilespmem:v24+s17+$0x0], $0xffff  }
0xe3: {  	v18 =	vld.idx.msk [tilespmem:v18+s17+$0x0], $0xffff;
	[tilespmem:s29+$0xFFFFFED0] =	vst v20;
	v20 =	vadd.s32 s4, v4  }
0xe4: {  	v24 =	vld.idx.msk [tilespmem:v22+s17+$0x0], $0xffff;
	v22 =	vadd.s32 s6, v4;
	[tilespmem:s29+$0x1E0] =	vst v13  }
0xe5: {  	v13 =	vadd.s32 s14, v4;
	[tilespmem:s29+$0xFFFFFF50] =	vst v21;
	v16 =	vld.idx.msk [tilespmem:v16+s17+$0x0], $0xffff  }
0xe6: {  	v21 =	vadd.s32 s28, v4;
	v19 =	vld.idx.msk [tilespmem:v19+s17+$0x0], $0xffff;
	[tilespmem:s29+$0xFFFFFFD0] =	vst v17  }
0xe7: {  	v25 =	vadd.s32 s31, v11;
	v26 =	vld.idx.msk [tilespmem:v14+s17+$0x0], $0xffff;
	[tilespmem:s29+$0x50] =	vst v12  }
0xe8: {  	v27 =	vadd.s32 s1, v6;
	v17 =	vld.idx.msk [tilespmem:v20+s17+$0x0], $0xffff;
	[tilespmem:s29+$0xD0] =	vst v15  }
0xe9: {  	v28 =	vadd.s32 s0, v6;
	v15 =	vld.idx.msk [tilespmem:v22+s17+$0x0], $0xffff;
	[tilespmem:s29+$0x150] =	vst v23  }
.Ltmp1:
0xea: {  	v23 =	vadd.s32 s15, v6;
	[tilespmem:s29+$0xFFFFFE50] =	vst v18;
	v14 =	vld.idx.msk [tilespmem:v13+s17+$0x0], $0xffff;
	(pc) =	sbr.rel @p1 .LBB2_5-.Ltmp1, $4  }
0xeb: {  	v22 =	vadd.s32 s4, v6;
	v13 =	vld.idx.msk [tilespmem:v21+s17+$0x0], $0xffff;
	[tilespmem:s29+$0x1F0] =	vst v16  }
0xec: {  	v21 =	vadd.s32 s6, v6;
	v12 =	vld.idx.msk [tilespmem:v25+s17+$0x0], $0xffff;
	[tilespmem:s29+$0xFFFFFEE0] =	vst v24  }
0xed: {  	v20 =	vadd.s32 s14, v6;
	v16 =	vld.idx.msk [tilespmem:v27+s17+$0x0], $0xffff;
	[tilespmem:s29+$0xFFFFFF60] =	vst v19  }
0xee: {  	s30 =	sadd.s32 $0x7, s31;
	v19 =	vadd.s32 s28, v6;
	s28 =	smov.u32 s31;
	s31 =	sadd.s32 $0x8, s31;
	v18 =	vld.idx.msk [tilespmem:v28+s17+$0x0], $0xffff;
	[tilespmem:s29+$0xFFFFFFE0] =	vst v26  }
0xef: {  	_ =	sdelay $0x1  }
0xf0: {  	[tilespmem:s29+$0x60] =	vst v17  }
0xf1: {  	[tilespmem:s29+$0xE0] =	vst v15  }
0xf2: {  	v26 =	vadd.s32 s30, v11;
	v23 =	vld.idx.msk [tilespmem:v23+s17+$0x0], $0xffff;
	[tilespmem:s29+$0x160] =	vst v14  }
0xf3: {  	s1 =	sadd.s32 $0x1, s28;
	s0 =	sadd.s32 $0x400, s29;
	v43 =	vadd.s32 s28, v10;
	v22 =	vld.idx.msk [tilespmem:v22+s17+$0x0], $0xffff;
	[tilespmem:s29+$0xFFFFFE60] =	vst v13  }
0xf4: {  	s4 =	sadd.s32 $0x2, s28;
	s6 =	sadd.s32 $0x3, s28;
	v33 =	vadd.s32 s30, v10;
	v27 =	vadd.s32 s1, v11;
	v21 =	vld.idx.msk [tilespmem:v21+s17+$0x0], $0xffff;
	[tilespmem:s0+$0xFFFFFE00] =	vst v12  }
0xf5: {  	v28 =	vadd.s32 s4, v11;
	v29 =	vadd.s32 s6, v11;
	v20 =	vld.idx.msk [tilespmem:v20+s17+$0x0], $0xffff;
	[tilespmem:s29+$0xFFFFFEF0] =	vst v16  }
0xf6: {  	s14 =	sadd.s32 $0x4, s28;
	v34 =	vadd.s32 s1, v10;
	v35 =	vadd.s32 s4, v10;
	v19 =	vld.idx.msk [tilespmem:v19+s17+$0x0], $0xffff;
	[tilespmem:s29+$0xFFFFFF70] =	vst v18  }
0xf7: {  	s15 =	sadd.s32 $0x5, s28;
	s31 =	sadd.s32 $0x6, s28;
	v30 =	vadd.s32 s14, v11;
	v36 =	vadd.s32 s6, v10;
	v37 =	vadd.s32 s14, v10;
	v17 =	vld.idx.msk [tilespmem:v26+s17+$0x0], $0xffff;
	[tilespmem:s29+$0xFFFFFFF0] =	vst v23  }
0xf8: {  	v31 =	vadd.s32 s15, v11;
	v39 =	vadd.s32 s15, v10;
	v42 =	vadd.s32 s31, v10;
	v10 =	vld.idx.msk [tilespmem:v43+s17+$0x0], $0xffff;
	[tilespmem:s29+$0x70] =	vst v22  }
0xf9: {  	v32 =	vadd.s32 s31, v11;
	v15 =	vld.idx.msk [tilespmem:v27+s17+$0x0], $0xffff;
	[tilespmem:s29+$0xF0] =	vst v21  }
0xfa: {  	v14 =	vld.idx.msk [tilespmem:v28+s17+$0x0], $0xffff;
	[tilespmem:s29+$0x170] =	vst v20  }
0xfb: {  	v53 =	vadd.s32 s28, v9;
	v13 =	vld.idx.msk [tilespmem:v29+s17+$0x0], $0xffff;
	[tilespmem:s29+$0xFFFFFE70] =	vst v19  }
0xfc: {  	v16 =	vld.idx.msk [tilespmem:v30+s17+$0x0], $0xffff;
	[tilespmem:s0+$0x180] =	vst v17  }
0xfd: {  	v41 =	vadd.s32 s30, v9;
	v18 =	vld.idx.msk [tilespmem:v31+s17+$0x0], $0xffff;
	[tilespmem:s0+$0xFFFFFE10] =	vst v10  }
0xfe: {  	v44 =	vadd.s32 s1, v9;
	v45 =	vadd.s32 s4, v9;
	v11 =	vld.idx.msk [tilespmem:v32+s17+$0x0], $0xffff;
	[tilespmem:s0+$0xFFFFFE80] =	vst v15  }
0xff: {  	v46 =	vadd.s32 s6, v9;
	v48 =	vadd.s32 s14, v9;
	v38 =	vld.idx.msk [tilespmem:v33+s17+$0x0], $0xffff;
	[tilespmem:s0+$0xFFFFFF00] =	vst v14  }
0x100: {  	v50 =	vadd.s32 s15, v9;
	v52 =	vadd.s32 s31, v9;
	[tilespmem:s0+$0xFFFFFF80] =	vst v13;
	v9 =	vld.idx.msk [tilespmem:v53+s17+$0x0], $0xffff  }
0x101: {  	[tilespmem:s0+$0x0] =	vst v16;
	v40 =	vld.idx.msk [tilespmem:v34+s17+$0x0], $0xffff  }
0x102: {  	[tilespmem:s0+$0x80] =	vst v18;
	v19 =	vld.idx.msk [tilespmem:v35+s17+$0x0], $0xffff  }
0x103: {  	v21 =	vadd.s32 s28, v8;
	[tilespmem:s0+$0x100] =	vst v11;
	v17 =	vld.idx.msk [tilespmem:v36+s17+$0x0], $0xffff  }
0x104: {  	v15 =	vld.idx.msk [tilespmem:v37+s17+$0x0], $0xffff;
	[tilespmem:s0+$0x190] =	vst v38  }
0x105: {  	v49 =	vadd.s32 s30, v8;
	v14 =	vld.idx.msk [tilespmem:v39+s17+$0x0], $0xffff;
	[tilespmem:s0+$0xFFFFFE20] =	vst v9  }
0x106: {  	v54 =	vadd.s32 s1, v8;
	v55 =	vadd.s32 s4, v8;
	v47 =	vld.idx.msk [tilespmem:v42+s17+$0x0], $0xffff;
	[tilespmem:s0+$0xFFFFFE90] =	vst v40  }
0x107: {  	v57 =	vadd.s32 s6, v8;
	v60 =	vadd.s32 s14, v8;
	v20 =	vld.idx.msk [tilespmem:v41+s17+$0x0], $0xffff;
	[tilespmem:s0+$0xFFFFFF10] =	vst v19  }
0x108: {  	v62 =	vadd.s32 s15, v8;
	v63 =	vadd.s32 s31, v8;
	[tilespmem:s0+$0xFFFFFF90] =	vst v17;
	v8 =	vld.idx.msk [tilespmem:v21+s17+$0x0], $0xffff  }
0x109: {  	[tilespmem:s0+$0x10] =	vst v15;
	v11 =	vld.idx.msk [tilespmem:v44+s17+$0x0], $0xffff  }
0x10a: {  	[tilespmem:s0+$0x90] =	vst v14;
	v51 =	vld.idx.msk [tilespmem:v45+s17+$0x0], $0xffff  }
0x10b: {  	v31 =	vadd.s32 s28, v7;
	[tilespmem:s0+$0x110] =	vst v47;
	v12 =	vld.idx.msk [tilespmem:v46+s17+$0x0], $0xffff  }
0x10c: {  	v16 =	vld.idx.msk [tilespmem:v48+s17+$0x0], $0xffff;
	[tilespmem:s0+$0x1A0] =	vst v20  }
0x10d: {  	v24 =	vadd.s32 s4, v7;
	v56 =	vld.idx.msk [tilespmem:v50+s17+$0x0], $0xffff;
	[tilespmem:s0+$0xFFFFFE30] =	vst v8  }
0x10e: {  	v59 =	vadd.s32 s30, v7;
	v26 =	vadd.s32 s30, v5;
	v22 =	vadd.s32 s1, v7;
	v58 =	vld.idx.msk [tilespmem:v52+s17+$0x0], $0xffff;
	[tilespmem:s0+$0xFFFFFEA0] =	vst v11  }
0x10f: {  	v27 =	vadd.s32 s6, v7;
	v28 =	vadd.s32 s14, v7;
	v19 =	vld.idx.msk [tilespmem:v49+s17+$0x0], $0xffff;
	[tilespmem:s0+$0xFFFFFF20] =	vst v51  }
0x110: {  	v43 =	vadd.s32 s31, v5;
	v29 =	vadd.s32 s15, v7;
	v30 =	vadd.s32 s31, v7;
	[tilespmem:s0+$0xFFFFFFA0] =	vst v12;
	v7 =	vld.idx.msk [tilespmem:v31+s17+$0x0], $0xffff  }
0x111: {  	v34 =	vadd.s32 s1, v5;
	v36 =	vadd.s32 s4, v5;
	[tilespmem:s0+$0x20] =	vst v16;
	v61 =	vld.idx.msk [tilespmem:v54+s17+$0x0], $0xffff  }
0x112: {  	v42 =	vadd.s32 s15, v5;
	v38 =	vadd.s32 s6, v5;
	[tilespmem:s0+$0xA0] =	vst v56;
	v13 =	vld.idx.msk [tilespmem:v55+s17+$0x0], $0xffff  }
0x113: {  	v40 =	vadd.s32 s14, v5;
	v5 =	vadd.s32 s28, v5;
	[tilespmem:s0+$0x120] =	vst v58;
	v17 =	vld.idx.msk [tilespmem:v57+s17+$0x0], $0xffff  }
0x114: {  	v23 =	vld.idx.msk [tilespmem:v60+s17+$0x0], $0xffff;
	[tilespmem:s0+$0x1B0] =	vst v19  }
0x115: {  	v25 =	vld.idx.msk [tilespmem:v62+s17+$0x0], $0xffff;
	[tilespmem:s0+$0xFFFFFE40] =	vst v7  }
0x116: {  	v16 =	vld.idx.msk [tilespmem:v63+s17+$0x0], $0xffff;
	[tilespmem:s0+$0xFFFFFEB0] =	vst v61  }
0x117: {  	v18 =	vld.idx.msk [tilespmem:v59+s17+$0x0], $0xffff;
	[tilespmem:s0+$0xFFFFFF30] =	vst v13  }
0x118: {  	v35 =	vadd.s32 s30, v4;
	v47 =	vadd.s32 s6, v4;
	[tilespmem:s0+$0xFFFFFFB0] =	vst v17;
	v5 =	vld.idx.msk [tilespmem:v5+s17+$0x0], $0xffff  }
0x119: {  	v45 =	vadd.s32 s1, v4;
	v46 =	vadd.s32 s4, v4;
	[tilespmem:s0+$0x30] =	vst v23;
	v10 =	vld.idx.msk [tilespmem:v22+s17+$0x0], $0xffff  }
0x11a: {  	v48 =	vadd.s32 s14, v4;
	v49 =	vadd.s32 s15, v4;
	[tilespmem:s0+$0xB0] =	vst v25;
	v15 =	vld.idx.msk [tilespmem:v24+s17+$0x0], $0xffff  }
0x11b: {  	v51 =	vadd.s32 s31, v4;
	v4 =	vadd.s32 s28, v4;
	[tilespmem:s0+$0x130] =	vst v16;
	v33 =	vld.idx.msk [tilespmem:v27+s17+$0x0], $0xffff  }
0x11c: {  	v13 =	vld.idx.msk [tilespmem:v28+s17+$0x0], $0xffff;
	[tilespmem:s0+$0x1C0] =	vst v18  }
0x11d: {  	v37 =	vld.idx.msk [tilespmem:v29+s17+$0x0], $0xffff;
	[tilespmem:s0+$0xFFFFFE50] =	vst v5  }
0x11e: {  	v39 =	vld.idx.msk [tilespmem:v30+s17+$0x0], $0xffff;
	[tilespmem:s0+$0xFFFFFEC0] =	vst v10  }
0x11f: {  	v32 =	vld.idx.msk [tilespmem:v26+s17+$0x0], $0xffff;
	[tilespmem:s0+$0xFFFFFF40] =	vst v15  }
0x120: {  	[tilespmem:s0+$0xFFFFFFC0] =	vst v33;
	v4 =	vld.idx.msk [tilespmem:v4+s17+$0x0], $0xffff  }
0x121: {  	[tilespmem:s0+$0x40] =	vst v13;
	v41 =	vld.idx.msk [tilespmem:v34+s17+$0x0], $0xffff  }
0x122: {  	[tilespmem:s0+$0xC0] =	vst v37;
	v8 =	vld.idx.msk [tilespmem:v36+s17+$0x0], $0xffff  }
0x123: {  	v61 =	vadd.s32 s28, v6;
	[tilespmem:s0+$0x140] =	vst v39;
	v10 =	vld.idx.msk [tilespmem:v38+s17+$0x0], $0xffff  }
0x124: {  	v15 =	vld.idx.msk [tilespmem:v40+s17+$0x0], $0xffff;
	[tilespmem:s0+$0x1D0] =	vst v32  }
0x125: {  	v44 =	vadd.s32 s30, v6;
	v12 =	vld.idx.msk [tilespmem:v42+s17+$0x0], $0xffff;
	[tilespmem:s0+$0xFFFFFE60] =	vst v4  }
0x126: {  	v52 =	vadd.s32 s1, v6;
	v58 =	vadd.s32 s15, v6;
	v9 =	vld.idx.msk [tilespmem:v43+s17+$0x0], $0xffff;
	[tilespmem:s0+$0xFFFFFED0] =	vst v41  }
0x127: {  	v54 =	vadd.s32 s4, v6;
	v55 =	vadd.s32 s6, v6;
	v14 =	vld.idx.msk [tilespmem:v35+s17+$0x0], $0xffff;
	[tilespmem:s0+$0xFFFFFF50] =	vst v8  }
0x128: {  	v57 =	vadd.s32 s14, v6;
	v60 =	vadd.s32 s31, v6;
	[tilespmem:s0+$0xFFFFFFD0] =	vst v10;
	v6 =	vld.idx.msk [tilespmem:v61+s17+$0x0], $0xffff  }
0x129: {  	[tilespmem:s0+$0x50] =	vst v15;
	v50 =	vld.idx.msk [tilespmem:v45+s17+$0x0], $0xffff  }
0x12a: {  	[tilespmem:s0+$0xD0] =	vst v12;
	v7 =	vld.idx.msk [tilespmem:v46+s17+$0x0], $0xffff  }
0x12b: {  	[tilespmem:s0+$0x150] =	vst v9;
	v11 =	vld.idx.msk [tilespmem:v47+s17+$0x0], $0xffff  }
0x12c: {  	v53 =	vld.idx.msk [tilespmem:v48+s17+$0x0], $0xffff;
	[tilespmem:s0+$0x1E0] =	vst v14  }
0x12d: {  	v5 =	vld.idx.msk [tilespmem:v49+s17+$0x0], $0xffff;
	[tilespmem:s0+$0xFFFFFE70] =	vst v6  }
0x12e: {  	v56 =	vld.idx.msk [tilespmem:v51+s17+$0x0], $0xffff;
	[tilespmem:s0+$0xFFFFFEE0] =	vst v50  }
0x12f: {  	v13 =	vld.idx.msk [tilespmem:v44+s17+$0x0], $0xffff;
	[tilespmem:s0+$0xFFFFFF60] =	vst v7  }
0x130: {  	[tilespmem:s0+$0xFFFFFFE0] =	vst v11;
	v59 =	vld.idx.msk [tilespmem:v52+s17+$0x0], $0xffff  }
0x131: {  	[tilespmem:s0+$0x60] =	vst v53;
	v62 =	vld.idx.msk [tilespmem:v54+s17+$0x0], $0xffff  }
0x132: {  	[tilespmem:s0+$0xE0] =	vst v5;
	v8 =	vld.idx.msk [tilespmem:v55+s17+$0x0], $0xffff  }
0x133: {  	[tilespmem:s0+$0x160] =	vst v56;
	v5 =	vld.idx.msk [tilespmem:v57+s17+$0x0], $0xffff  }
0x134: {  	v63 =	vld.idx.msk [tilespmem:v58+s17+$0x0], $0xffff;
	[tilespmem:s0+$0x1F0] =	vst v13  }
0x135: {  	v4 =	vld.idx.msk [tilespmem:v60+s17+$0x0], $0xffff;
	[tilespmem:s0+$0xFFFFFEF0] =	vst v59  }
0x136: {  	s14 =	sadd.s32 s5, s23;
	[tilespmem:s0+$0xFFFFFF70] =	vst v62  }
0x137: {  	s15 =	sshll.u32 s14, $0xA;
	s1 =	sshll.u32 s14, $0x7;
	[tilespmem:s0+$0xFFFFFFF0] =	vst v8  }
0x138: {  	s4 =	sand.u32 $0xFFE0000, s15;
	s1 =	sand.u32 $0x3F80, s1;
	[tilespmem:s0+$0x70] =	vst v5  }
0x139: {  	s1 =	sor.u32 s1, s4;
	[tilespmem:s0+$0xF0] =	vst v63  }
0x13a: {  	s4 =	sadd.s32 s2, s1;
	[tilespmem:s0+$0x170] =	vst v4;
	s0 =	sadd.s32 $0x1, s24  }
0x13b: {  	[hbm4b:s4+s3] =	stream.linear.scatter [tilespmem:s26], [sflag:s0], $0x400, $0x38;
	[tilespmem:$0xE330] =	vst v63  }
0x13c: {  	s29 =	sadd.s32 $0xA730, s25;
	s28 =	sadd.s32 s1, s7  }
0x13d: {  	[hbm4b:s28+s3] =	stream.linear.scatter [tilespmem:s29], [sflag:s0], $0x400, $0x38;
	[tilespmem:$0xE330] =	vst v63  }
0x13e: {  	s31 =	sadd.s32 $0xAB30, s25;
	s30 =	sadd.s32 s1, s8  }
0x13f: {  	[hbm4b:s30+s3] =	stream.linear.scatter [tilespmem:s31], [sflag:s0], $0x400, $0x38;
	[tilespmem:$0xE330] =	vst v63  }
0x140: {  	s14 =	sadd.s32 $0xAF30, s25;
	s6 =	sadd.s32 s1, s9  }
0x141: {  	[hbm4b:s6+s3] =	stream.linear.scatter [tilespmem:s14], [sflag:s0], $0x400, $0x38;
	[tilespmem:$0xE330] =	vst v63  }
0x142: {  	s23 =	sadd.s32 $0x1, s23;
	s15 =	sadd.s32 s1, s10;
	s24 =	sadd.s32 $0xB330, s25  }
0x143: {  	[hbm4b:s15+s3] =	stream.linear.scatter [tilespmem:s24], [sflag:s0], $0x400, $0x38;
	[tilespmem:$0xE330] =	vst v63  }
0x144: {  	p1 =	sne.s32 s23, $0x18;
	s26 =	sadd.s32 s1, s11;
	s28 =	sadd.s32 $0xB730, s25  }
0x145: {  	[hbm4b:s26+s3] =	stream.linear.scatter [tilespmem:s28], [sflag:s0], $0x400, $0x38;
	[tilespmem:$0xE330] =	vst v63  }
.Ltmp2:
0x146: {  	_ = 	snop;
	(pc) =	sbr.rel @p1 .LBB2_4-.Ltmp2, $4  }
0x147: {  	s29 =	sadd.s32 s1, s12;
	s30 =	sadd.s32 $0xBB30, s25  }
0x148: {  	[hbm4b:s29+s3] =	stream.linear.scatter [tilespmem:s30], [sflag:s0], $0x400, $0x38;
	[tilespmem:$0xE330] =	vst v63  }
0x149: {  	p0 =	por !p0, !p0;
	s1 =	sadd.s32 s1, s13;
	s31 =	sadd.s32 $0xBF30, s25  }
0x14a: {  	[hbm4b:s1+s3] =	stream.linear.scatter [tilespmem:s31], [sflag:s0], $0x400, $0x38;
	[tilespmem:$0xE330] =	vst v63  }
0x14b: {  	_ =	swait.ge [sflag:s19], $0x400  }
0x14c: {  	[sflag:s19] =	ssyncset.done $0x0  }
0x14d: {  	[sflag:s19] =	ssyncadd.s32 $0xFFFFFC00  }
0x14e: {  	_ =	swait.ge [sflag:s19], $0x400  }
0x14f: {  	[sflag:s19] =	ssyncset.done $0x0  }
0x150: {  	[sflag:s19] =	ssyncadd.s32 $0xFFFFFC00  }
0x151: {  	_ =	swait.ge [sflag:s19], $0x400  }
0x152: {  	[sflag:s19] =	ssyncset.done $0x0  }
0x153: {  	[sflag:s19] =	ssyncadd.s32 $0xFFFFFC00  }
0x154: {  	_ =	swait.ge [sflag:s19], $0x400  }
0x155: {  	[sflag:s19] =	ssyncset.done $0x0  }
0x156: {  	[sflag:s19] =	ssyncadd.s32 $0xFFFFFC00  }
0x157: {  	_ =	swait.ge [sflag:s19], $0x400  }
0x158: {  	[sflag:s19] =	ssyncset.done $0x0  }
0x159: {  	[sflag:s19] =	ssyncadd.s32 $0xFFFFFC00  }
0x15a: {  	_ =	swait.ge [sflag:s19], $0x400  }
0x15b: {  	[sflag:s19] =	ssyncset.done $0x0  }
0x15c: {  	[sflag:s19] =	ssyncadd.s32 $0xFFFFFC00  }
0x15d: {  	_ =	swait.ge [sflag:s19], $0x400  }
0x15e: {  	[sflag:s19] =	ssyncset.done $0x0  }
0x15f: {  	[sflag:s19] =	ssyncadd.s32 $0xFFFFFC00  }
0x160: {  	_ =	swait.ge [sflag:s19], $0x400  }
0x161: {  	[sflag:s19] =	ssyncset.done $0x0  }
0x162: {  	[sflag:s19] =	ssyncadd.s32 $0xFFFFFC00  }
0x163: {  	_ =	swait.ge [sflag:s20], $0x400  }
0x164: {  	[sflag:s20] =	ssyncset.done $0x0  }
0x165: {  	[sflag:s20] =	ssyncadd.s32 $0xFFFFFC00  }
0x166: {  	_ =	swait.ge [sflag:s20], $0x400  }
0x167: {  	[sflag:s20] =	ssyncset.done $0x0  }
0x168: {  	[sflag:s20] =	ssyncadd.s32 $0xFFFFFC00  }
0x169: {  	_ =	swait.ge [sflag:s20], $0x400  }
0x16a: {  	[sflag:s20] =	ssyncset.done $0x0  }
0x16b: {  	[sflag:s20] =	ssyncadd.s32 $0xFFFFFC00  }
0x16c: {  	_ =	swait.ge [sflag:s20], $0x400  }
0x16d: {  	[sflag:s20] =	ssyncset.done $0x0  }
0x16e: {  	[sflag:s20] =	ssyncadd.s32 $0xFFFFFC00  }
0x16f: {  	_ =	swait.ge [sflag:s20], $0x400  }
0x170: {  	[sflag:s20] =	ssyncset.done $0x0  }
0x171: {  	[sflag:s20] =	ssyncadd.s32 $0xFFFFFC00  }
0x172: {  	_ =	swait.ge [sflag:s20], $0x400  }
0x173: {  	[sflag:s20] =	ssyncset.done $0x0  }
0x174: {  	[sflag:s20] =	ssyncadd.s32 $0xFFFFFC00  }
0x175: {  	_ =	swait.ge [sflag:s20], $0x400  }
0x176: {  	[sflag:s20] =	ssyncset.done $0x0  }
0x177: {  	[sflag:s20] =	ssyncadd.s32 $0xFFFFFC00  }
0x178: {  	_ =	swait.ge [sflag:s20], $0x400  }
0x179: {  	s21 =	sadd.s32 $0x1, s21;
	s0 =	rddreg [dreg:$0x6]  }
0x17a: {  	p0 =	sne.s32 s21, s0  }
.Ltmp3:
0x17b: {  	_ = 	snop;
	(pc) =	sbr.rel @p0 .LBB2_1-.Ltmp3, $3  }
0x17c: {  	_ =	sdelay $0x1  }
0x17d: {  	[sflag:s20] =	ssyncset.done $0x0  }
0x17e: {  	[sflag:s20] =	ssyncadd.s32 $0xFFFFFC00  }
0x17f: {  	_ =	sfence.sel $0x180000  }
0x180: {  	[bflag:$0x0] =	sbarrier.arrive $0xFFFF  }
0x181: {  	_ =	strace $0x90000047  }
0x182: {  	s0 =	stileid.u32;
	[bflag:$0x2] =	sbarrier.arrive $0xFFFF  }
0x183: {  	p0 =	sne.s32 s0, $0x0;
	s0 =	rddreg [dreg:$0x3]  }
0x184: {  	s0 =	sadd.s32 @!p0 $0x100000, s0  }
0x185: {  	[sflag:s0] =	ssyncadd.tile.s32 @!p0 $0x1;
	_ =	shalt  }
.Lfunc_end2:
_tile_overlayer_lowered:
.L_overlay_start_2:
0x186: {  	(tag) =	ssettag $0x2  }
0x187: {  	s0 =	rddreg [dreg:$0x0];
	s2 =	stileid.u32  }
0x188: {  	s1 =	rddreg [dreg:$0x1];
	p0 =	sne.s32 s2, $0x0  }
0x189: {  	s3 =	rddreg [dreg:$0x2];
	[bflag:$0x3] =	sbarrier.arrive $0xFFFF;
	s2 =	simm.s32 @!p0 $0x1C04  }
0x18a: {  	[timem:s3], [sflag:s2] =	dma.local @!p0 [hbm:s0], s1  }
0x18b: {  	s0 =	simm.s32 @!p0 $0x4  }
0x18c: {  	_ =	swait.ge @!p0 [sflag:s0], s1  }
0x18d: {  	s1 =	ssub.s32 @!p0 $0x0, s1;
	[sflag:s0] =	ssyncset.done @!p0 $0x0  }
0x18e: {  	[sflag:s0] =	ssyncadd.s32 @!p0 s1  }
0x18f: {  	[bflag:$0x3] =	sbarrier.arrive $0xFFFF  }
0x190: {  	_ =	shalt  }

</sc_bundles>
